<compile_context>
chip_gen: v7x
topology: tpu7x:2x2x1
jax: 0.10.2.dev20260603
libtpu: 0.0.44.dev20260713+nightly
codegen_flags: <defaults>
</compile_context>

<pallas_src>
import math

import jax
import jax.numpy as jnp
from jax import lax
from jax.experimental import pallas as pl
from jax.experimental.pallas import tpu as pltpu
from jax.experimental.pallas import tpu_sc as plsc

N_NODES = 10000
N_EDGES = 320000
D = 128

NC = 2
NS = 16
NW = NC * NS
E_PER_TILE = N_EDGES // NW
CHUNK = 80
NCH = E_PER_TILE // CHUNK
NSLOT = 4
N_PAD = 10240
ROWS_PER_TILE = N_PAD // NS


def _sc_body(x_hbm, src_hbm, zeros_hbm, he_hbm,
             rows, sb0, sb1, sb2, sb3, db0, db1, db2, db3,
             cb0, cb1, cb2, cb3, he_sh,
             gsem0, gsem1, gsem2, gsem3,
             isem0, isem1, isem2, isem3,
             ssem0, ssem1, ssem2, ssem3, zsem):
    cid = lax.axis_index("c")
    sid = lax.axis_index("s")
    wid = cid * NS + sid
    gsems = (gsem0, gsem1, gsem2, gsem3)
    isems = (isem0, isem1, isem2, isem3)
    ssems = (ssem0, ssem1, ssem2, ssem3)
    sbufs = (sb0, sb1, sb2, sb3)
    dbufs = (db0, db1, db2, db3)
    cbufs = (cb0, cb1, cb2, cb3)

    ebase = wid * E_PER_TILE

    def rows_at(b):
        return rows.at[pl.ds(b * CHUNK, CHUNK)]

    def eslice(j):
        return pl.ds(pl.multiple_of(ebase + j * CHUNK, 8), CHUNK)

    def dslice(j):
        return pl.ds(pl.multiple_of(N_EDGES + ebase + j * CHUNK, 8), CHUNK)

    def start_idx(j, b):
        pltpu.async_copy(src_hbm.at[eslice(j)], sbufs[b], isems[b])
        pltpu.async_copy(src_hbm.at[dslice(j)], dbufs[b], isems[b])

    def wait_idx(j, b):
        pltpu.make_async_copy(src_hbm.at[eslice(j)], sbufs[b], isems[b]).wait()
        pltpu.make_async_copy(src_hbm.at[dslice(j)], dbufs[b], isems[b]).wait()

    def fire_gather(b):
        pltpu.async_copy(x_hbm.at[sbufs[b]], rows_at(b), gsems[b])

    def drain_gather(b):
        pltpu.make_async_copy(x_hbm.at[sbufs[b]], rows_at(b), gsems[b]).wait()

    def fire_scatter(b):
        for i in range(CHUNK // 16):
            cbufs[b][pl.ds(i * 16, 16)] = dbufs[b][pl.ds(i * 16, 16)]
        pltpu.async_copy(rows_at(b), he_sh.at[cbufs[b]], ssems[b], add=True)

    def drain_scatter(b):
        pltpu.make_async_copy(rows_at(b), he_sh.at[cbufs[b]], ssems[b]).wait()

    scope = jax.named_scope("edge_pipeline")
    scope.__enter__()

    def body(j, b, steady=True, f=True):
        if steady:
            drain_scatter(b)
        wait_idx(j, b)
        fire_gather(b)
        if steady or b >= 2:
            drain_gather((b - 2) % 4)
            fire_scatter((b - 2) % 4)
        if f:
            start_idx(j + 2, (b + 2) % 4)

    start_idx(0, 0)
    start_idx(1, 1)
    start_idx(2, 2)
    with jax.named_scope("zero_acc"):
        wait_idx(0, 0)
        fire_gather(0)
        pltpu.async_copy(
            zeros_hbm, he_sh.at[pl.ds(sid * ROWS_PER_TILE, ROWS_PER_TILE)],
            zsem).wait()
        plsc.subcore_barrier()

    wait_idx(1, 1)
    fire_gather(1)
    start_idx(3, 3)
    for j in range(2, 4):
        body(j, j, steady=False)

    def _pipe(t, carry):
        j0 = 4 + 4 * t
        for u in range(4):
            body(j0 + u, u)
        return carry

    lax.fori_loop(0, (NCH - 4 - 5) // 4, _pipe, 0)

    for j in range(NCH - 5, NCH):
        body(j, j % 4, f=(j + 2 < NCH))
    drain_gather((NCH - 2) % 4)
    fire_scatter((NCH - 2) % 4)
    drain_gather((NCH - 1) % 4)
    fire_scatter((NCH - 1) % 4)
    for j in range(NCH - 4, NCH):
        drain_scatter(j % 4)
    scope.__exit__(None, None, None)

    with jax.named_scope("writeout"):
        plsc.subcore_barrier()
        pltpu.sync_copy(
            he_sh.at[pl.ds(sid * ROWS_PER_TILE, ROWS_PER_TILE)],
            he_hbm.at[cid, pl.ds(sid * ROWS_PER_TILE, ROWS_PER_TILE)])


_sc_segsum = pl.kernel(
    _sc_body,
    out_type=jax.ShapeDtypeStruct((NC, N_PAD, D), jnp.float32),
    mesh=plsc.VectorSubcoreMesh(core_axis_name="c", subcore_axis_name="s"),
    scratch_types=(
        [pltpu.VMEM((NSLOT * CHUNK, D), jnp.float32)]
        + [pltpu.VMEM((CHUNK,), jnp.int32) for _ in range(12)]
        + [pltpu.VMEM_SHARED((N_PAD, D), jnp.float32)]
        + [pltpu.SemaphoreType.DMA for _ in range(13)]
    ),
)


def _tc_body(x_ref, he_ref, w_ref, b_ref, o_ref):
    acc = x_ref[...] + math.pi * (he_ref[0] + he_ref[1])
    o_ref[...] = lax.dot_general(
        acc, w_ref[...], (((1,), (1,)), ((), ())),
        preferred_element_type=jnp.float32) + b_ref[...]


def _tc_linear(x, he, W, b2d):
    blk = 1000
    grid = N_NODES // blk
    return pl.pallas_call(
        _tc_body,
        grid=(grid,),
        in_specs=[
            pl.BlockSpec((blk, D), lambda i: (i, 0)),
            pl.BlockSpec((NC, blk, D), lambda i: (0, i, 0)),
            pl.BlockSpec((D, D), lambda i: (0, 0)),
            pl.BlockSpec((1, D), lambda i: (0, 0)),
        ],
        out_specs=pl.BlockSpec((blk, D), lambda i: (i, 0)),
        out_shape=jax.ShapeDtypeStruct((N_NODES, D), jnp.float32),
    )(x, he, W, b2d)


def kernel(x, edge_index, W, b):
    ei = jnp.reshape(edge_index, (2 * N_EDGES,))
    zeros = jnp.zeros((ROWS_PER_TILE, D), jnp.float32)
    he = _sc_segsum(x, ei, zeros)
    return _tc_linear(x, he, W, b.reshape(1, D))

# --- scband reference (transcript-rebuilt; emitter-appended) ---
"""Pipeline reference for scband-gn-81784767250539 (READ-ONLY COPY).

The authoritative reference and input builder live on the scoring server;
editing this copy changes nothing except your own understanding.
"""

import jax, jax.numpy as jnp
import numpy as np
import math

N_NODES = 10000
N_EDGES = 320000
D_IN = 128
D_OUT = 128

def setup_inputs(seed: int = 0) -> dict:
    key = jax.random.key(seed)
    k1, k2, k3, k4 = jax.random.split(key, 4)
    x = jax.random.normal(k1, (N_NODES, D_IN), dtype=jnp.float32)
    edge_index = jax.random.randint(k2, (2, N_EDGES), 0, N_NODES, dtype=jnp.int32)
    # Linear layer params (torch nn.Linear style: W [out, in], b [out])
    bound = 1.0 / math.sqrt(D_IN)
    W = jax.random.uniform(k3, (D_OUT, D_IN), dtype=jnp.float32, minval=-bound, maxval=bound)
    b = jax.random.uniform(k4, (D_OUT,), dtype=jnp.float32, minval=-bound, maxval=bound)
    return {"x": x, "edge_index": edge_index, "W": W, "b": b}

def reference(x, edge_index, W, b):
    # DGL update_all(copy_src('h','m'), phi_v):
    #   message m = h[src]; mailbox sum over incoming edges at dst
    src = edge_index[0]
    dst = edge_index[1]
    m = jnp.take(x, src, axis=0)                              # gather src features per edge
    h_e = jax.ops.segment_sum(m, dst, num_segments=N_NODES)   # scatter-add to dst nodes
    h = (x + math.pi * h_e) @ W.T + b                         # d_phi_v linear
    return h

if __name__ == "__main__":
    import jax
    _d = setup_inputs()
    print(jax.jit(kernel)(*tuple(_d.values())))

</pallas_src>

<mosaic_0001>
#map = affine_map<(d0, d1) -> (0, 0)>
#map1 = affine_map<(d0, d1) -> (0)>
#map2 = affine_map<(d0, d1) -> (0, 0, 0)>
module attributes {stable_mosaic.version = 14 : i64} {
  func.func @_sc_body(%arg0: i32, %arg1: i32, %arg2: memref<10000x128xf32, #tpu.memory_space<hbm>>, %arg3: memref<640000xi32, #tpu.memory_space<hbm>>, %arg4: memref<640x128xf32, #tpu.memory_space<hbm>>, %arg5: memref<2x10240x128xf32, #tpu.memory_space<hbm>>, %arg6: memref<320x128xf32, #tpu.memory_space<vmem>>, %arg7: memref<80xi32, #tpu.memory_space<vmem>>, %arg8: memref<80xi32, #tpu.memory_space<vmem>>, %arg9: memref<80xi32, #tpu.memory_space<vmem>>, %arg10: memref<80xi32, #tpu.memory_space<vmem>>, %arg11: memref<80xi32, #tpu.memory_space<vmem>>, %arg12: memref<80xi32, #tpu.memory_space<vmem>>, %arg13: memref<80xi32, #tpu.memory_space<vmem>>, %arg14: memref<80xi32, #tpu.memory_space<vmem>>, %arg15: memref<80xi32, #tpu.memory_space<vmem>>, %arg16: memref<80xi32, #tpu.memory_space<vmem>>, %arg17: memref<80xi32, #tpu.memory_space<vmem>>, %arg18: memref<80xi32, #tpu.memory_space<vmem>>, %arg19: memref<10240x128xf32, #tpu.memory_space<vmem_shared>>, %arg20: memref<!tpu.dma_semaphore, #tpu.memory_space<semaphore_mem>>, %arg21: memref<!tpu.dma_semaphore, #tpu.memory_space<semaphore_mem>>, %arg22: memref<!tpu.dma_semaphore, #tpu.memory_space<semaphore_mem>>, %arg23: memref<!tpu.dma_semaphore, #tpu.memory_space<semaphore_mem>>, %arg24: memref<!tpu.dma_semaphore, #tpu.memory_space<semaphore_mem>>, %arg25: memref<!tpu.dma_semaphore, #tpu.memory_space<semaphore_mem>>, %arg26: memref<!tpu.dma_semaphore, #tpu.memory_space<semaphore_mem>>, %arg27: memref<!tpu.dma_semaphore, #tpu.memory_space<semaphore_mem>>, %arg28: memref<!tpu.dma_semaphore, #tpu.memory_space<semaphore_mem>>, %arg29: memref<!tpu.dma_semaphore, #tpu.memory_space<semaphore_mem>>, %arg30: memref<!tpu.dma_semaphore, #tpu.memory_space<semaphore_mem>>, %arg31: memref<!tpu.dma_semaphore, #tpu.memory_space<semaphore_mem>>, %arg32: memref<!tpu.dma_semaphore, #tpu.memory_space<semaphore_mem>>) attributes {dimension_semantics = [#tpu.dimension_semantics<core_parallel>, #tpu.dimension_semantics<subcore_parallel>], iteration_bounds = array<i64: 2, 16>, scalar_prefetch = 0 : i64, scratch_operands = 27 : i64, tpu.core_type = #tpu.core_type<sc_vector_subcore>, window_params = [{transform_indices = #map}, {transform_indices = #map1}, {transform_indices = #map}, {transform_indices = #map2}]} {
    %mul3A = arith.constant 16 : i32
    %mul3A_0 = arith.muli %arg0, %mul3A : i32
    %add3A = arith.addi %mul3A_0, %arg1 : i32
    %mul3A_1 = arith.constant 10000 : i32
    %mul3A_2 = arith.muli %add3A, %mul3A_1 : i32
    "tpu.trace_start"() <{level = 10 : i32, message = "edge_pipeline"}> : () -> ()
    %add3A_3 = arith.constant 0 : i32
    %add3A_4 = arith.addi %mul3A_2, %add3A_3 : i32
    %multiple_of3A = tpu.assume_multiple %add3A_4, 8 : i32
    %dma_start3A = tpu.memref_slice %arg3[%multiple_of3A] : memref<640000xi32, #tpu.memory_space<hbm>> -> memref<80xi32, #tpu.memory_space<hbm>>
    %dma_start3A_5 = tpu.memref_slice %arg3[%multiple_of3A] : memref<640000xi32, #tpu.memory_space<hbm>> -> memref<80xi32, #tpu.memory_space<hbm>>
    tpu.enqueue_dma source(%dma_start3A_5 : memref<80xi32, #tpu.memory_space<hbm>>) target(%arg7 : memref<80xi32, #tpu.memory_space<vmem>>) target_semaphore(%arg24 : memref<!tpu.dma_semaphore, #tpu.memory_space<semaphore_mem>>)
    %add3A_6 = arith.constant 320000 : i32
    %add3A_7 = arith.addi %add3A_6, %mul3A_2 : i32
    %add3A_8 = arith.constant 0 : i32
    %add3A_9 = arith.addi %add3A_7, %add3A_8 : i32
    %multiple_of3A_10 = tpu.assume_multiple %add3A_9, 8 : i32
    %dma_start3A_11 = tpu.memref_slice %arg3[%multiple_of3A_10] : memref<640000xi32, #tpu.memory_space<hbm>> -> memref<80xi32, #tpu.memory_space<hbm>>
    %dma_start3A_12 = tpu.memref_slice %arg3[%multiple_of3A_10] : memref<640000xi32, #tpu.memory_space<hbm>> -> memref<80xi32, #tpu.memory_space<hbm>>
    tpu.enqueue_dma source(%dma_start3A_12 : memref<80xi32, #tpu.memory_space<hbm>>) target(%arg11 : memref<80xi32, #tpu.memory_space<vmem>>) target_semaphore(%arg24 : memref<!tpu.dma_semaphore, #tpu.memory_space<semaphore_mem>>)
    %add3A_13 = arith.constant 80 : i32
    %add3A_14 = arith.addi %mul3A_2, %add3A_13 : i32
    %multiple_of3A_15 = tpu.assume_multiple %add3A_14, 8 : i32
    %dma_start3A_16 = tpu.memref_slice %arg3[%multiple_of3A_15] : memref<640000xi32, #tpu.memory_space<hbm>> -> memref<80xi32, #tpu.memory_space<hbm>>
    %dma_start3A_17 = tpu.memref_slice %arg3[%multiple_of3A_15] : memref<640000xi32, #tpu.memory_space<hbm>> -> memref<80xi32, #tpu.memory_space<hbm>>
    tpu.enqueue_dma source(%dma_start3A_17 : memref<80xi32, #tpu.memory_space<hbm>>) target(%arg8 : memref<80xi32, #tpu.memory_space<vmem>>) target_semaphore(%arg25 : memref<!tpu.dma_semaphore, #tpu.memory_space<semaphore_mem>>)
    %add3A_18 = arith.constant 320000 : i32
    %add3A_19 = arith.addi %add3A_18, %mul3A_2 : i32
    %add3A_20 = arith.constant 80 : i32
    %add3A_21 = arith.addi %add3A_19, %add3A_20 : i32
    %multiple_of3A_22 = tpu.assume_multiple %add3A_21, 8 : i32
    %dma_start3A_23 = tpu.memref_slice %arg3[%multiple_of3A_22] : memref<640000xi32, #tpu.memory_space<hbm>> -> memref<80xi32, #tpu.memory_space<hbm>>
    %dma_start3A_24 = tpu.memref_slice %arg3[%multiple_of3A_22] : memref<640000xi32, #tpu.memory_space<hbm>> -> memref<80xi32, #tpu.memory_space<hbm>>
    tpu.enqueue_dma source(%dma_start3A_24 : memref<80xi32, #tpu.memory_space<hbm>>) target(%arg12 : memref<80xi32, #tpu.memory_space<vmem>>) target_semaphore(%arg25 : memref<!tpu.dma_semaphore, #tpu.memory_space<semaphore_mem>>)
    %add3A_25 = arith.constant 160 : i32
    %add3A_26 = arith.addi %mul3A_2, %add3A_25 : i32
    %multiple_of3A_27 = tpu.assume_multiple %add3A_26, 8 : i32
    %dma_start3A_28 = tpu.memref_slice %arg3[%multiple_of3A_27] : memref<640000xi32, #tpu.memory_space<hbm>> -> memref<80xi32, #tpu.memory_space<hbm>>
    %dma_start3A_29 = tpu.memref_slice %arg3[%multiple_of3A_27] : memref<640000xi32, #tpu.memory_space<hbm>> -> memref<80xi32, #tpu.memory_space<hbm>>
    tpu.enqueue_dma source(%dma_start3A_29 : memref<80xi32, #tpu.memory_space<hbm>>) target(%arg9 : memref<80xi32, #tpu.memory_space<vmem>>) target_semaphore(%arg26 : memref<!tpu.dma_semaphore, #tpu.memory_space<semaphore_mem>>)
    %add3A_30 = arith.constant 320000 : i32
    %add3A_31 = arith.addi %add3A_30, %mul3A_2 : i32
    %add3A_32 = arith.constant 160 : i32
    %add3A_33 = arith.addi %add3A_31, %add3A_32 : i32
    %multiple_of3A_34 = tpu.assume_multiple %add3A_33, 8 : i32
    %dma_start3A_35 = tpu.memref_slice %arg3[%multiple_of3A_34] : memref<640000xi32, #tpu.memory_space<hbm>> -> memref<80xi32, #tpu.memory_space<hbm>>
    %dma_start3A_36 = tpu.memref_slice %arg3[%multiple_of3A_34] : memref<640000xi32, #tpu.memory_space<hbm>> -> memref<80xi32, #tpu.memory_space<hbm>>
    tpu.enqueue_dma source(%dma_start3A_36 : memref<80xi32, #tpu.memory_space<hbm>>) target(%arg13 : memref<80xi32, #tpu.memory_space<vmem>>) target_semaphore(%arg26 : memref<!tpu.dma_semaphore, #tpu.memory_space<semaphore_mem>>)
    "tpu.trace_start"() <{level = 10 : i32, message = "zero_acc"}> : () -> ()
    %add3A_37 = arith.constant 0 : i32
    %add3A_38 = arith.addi %mul3A_2, %add3A_37 : i32
    %multiple_of3A_39 = tpu.assume_multiple %add3A_38, 8 : i32
    %dma_wait3A = tpu.memref_slice %arg3[%multiple_of3A_39] : memref<640000xi32, #tpu.memory_space<hbm>> -> memref<80xi32, #tpu.memory_space<hbm>>
    %dma_wait3A_40 = tpu.memref_slice %arg3[%multiple_of3A_39] : memref<640000xi32, #tpu.memory_space<hbm>> -> memref<80xi32, #tpu.memory_space<hbm>>
    tpu.wait_dma2 semaphore(%arg24 : memref<!tpu.dma_semaphore, #tpu.memory_space<semaphore_mem>>) src(%dma_wait3A_40 : memref<80xi32, #tpu.memory_space<hbm>>) dst(%arg7 : memref<80xi32, #tpu.memory_space<vmem>>)
    %add3A_41 = arith.constant 320000 : i32
    %add3A_42 = arith.addi %add3A_41, %mul3A_2 : i32
    %add3A_43 = arith.constant 0 : i32
    %add3A_44 = arith.addi %add3A_42, %add3A_43 : i32
    %multiple_of3A_45 = tpu.assume_multiple %add3A_44, 8 : i32
    %dma_wait3A_46 = tpu.memref_slice %arg3[%multiple_of3A_45] : memref<640000xi32, #tpu.memory_space<hbm>> -> memref<80xi32, #tpu.memory_space<hbm>>
    %dma_wait3A_47 = tpu.memref_slice %arg3[%multiple_of3A_45] : memref<640000xi32, #tpu.memory_space<hbm>> -> memref<80xi32, #tpu.memory_space<hbm>>
    tpu.wait_dma2 semaphore(%arg24 : memref<!tpu.dma_semaphore, #tpu.memory_space<semaphore_mem>>) src(%dma_wait3A_47 : memref<80xi32, #tpu.memory_space<hbm>>) dst(%arg11 : memref<80xi32, #tpu.memory_space<vmem>>)
    %dma_start3A_48 = arith.constant 0 : i32
    %dma_start3A_49 = arith.constant 0 : i32
    %dma_start3A_50 = tpu.memref_slice %arg6[%dma_start3A_48, %dma_start3A_49] : memref<320x128xf32, #tpu.memory_space<vmem>> -> memref<80x128xf32, #tpu.memory_space<vmem>>
    %dma_start3A_51 = arith.constant 0 : i32
    %dma_start3A_52 = arith.constant 0 : i32
    %dma_start3A_53 = tpu.memref_slice %arg2[%dma_start3A_51, %dma_start3A_52] : memref<10000x128xf32, #tpu.memory_space<hbm>> -> memref<10000x128xf32, #tpu.memory_space<hbm>>
    tpu.enqueue_indirect_dma source(%dma_start3A_53 : memref<10000x128xf32, #tpu.memory_space<hbm>>) target(%dma_start3A_50 : memref<80x128xf32, #tpu.memory_space<vmem>>) offsets(%arg7 : memref<80xi32, #tpu.memory_space<vmem>>) semaphore(%arg20 : memref<!tpu.dma_semaphore, #tpu.memory_space<semaphore_mem>>)
    %mul3A_54 = arith.constant 640 : i32
    %mul3A_55 = arith.muli %arg1, %mul3A_54 : i32
    %dma_start3A_56 = arith.constant 0 : i32
    %dma_start3A_57 = tpu.memref_slice %arg19[%mul3A_55, %dma_start3A_56] : memref<10240x128xf32, #tpu.memory_space<vmem_shared>> -> memref<640x128xf32, #tpu.memory_space<vmem_shared>>
    tpu.enqueue_dma source(%arg4 : memref<640x128xf32, #tpu.memory_space<hbm>>) target(%dma_start3A_57 : memref<640x128xf32, #tpu.memory_space<vmem_shared>>) target_semaphore(%arg32 : memref<!tpu.dma_semaphore, #tpu.memory_space<semaphore_mem>>)
    %dma_wait3A_58 = arith.constant 0 : i32
    %dma_wait3A_59 = tpu.memref_slice %arg19[%mul3A_55, %dma_wait3A_58] : memref<10240x128xf32, #tpu.memory_space<vmem_shared>> -> memref<640x128xf32, #tpu.memory_space<vmem_shared>>
    tpu.wait_dma2 semaphore(%arg32 : memref<!tpu.dma_semaphore, #tpu.memory_space<semaphore_mem>>) src(%arg4 : memref<640x128xf32, #tpu.memory_space<hbm>>) dst(%dma_wait3A_59 : memref<640x128xf32, #tpu.memory_space<vmem_shared>>)
    %barrier3A = arith.constant 0 : index
    tpu.barrier barrier_id(%barrier3A)
    "tpu.trace_stop"() : () -> ()
    %add3A_60 = arith.constant 80 : i32
    %add3A_61 = arith.addi %mul3A_2, %add3A_60 : i32
    %multiple_of3A_62 = tpu.assume_multiple %add3A_61, 8 : i32
    %dma_wait3A_63 = tpu.memref_slice %arg3[%multiple_of3A_62] : memref<640000xi32, #tpu.memory_space<hbm>> -> memref<80xi32, #tpu.memory_space<hbm>>
    %dma_wait3A_64 = tpu.memref_slice %arg3[%multiple_of3A_62] : memref<640000xi32, #tpu.memory_space<hbm>> -> memref<80xi32, #tpu.memory_space<hbm>>
    tpu.wait_dma2 semaphore(%arg25 : memref<!tpu.dma_semaphore, #tpu.memory_space<semaphore_mem>>) src(%dma_wait3A_64 : memref<80xi32, #tpu.memory_space<hbm>>) dst(%arg8 : memref<80xi32, #tpu.memory_space<vmem>>)
    %add3A_65 = arith.constant 320000 : i32
    %add3A_66 = arith.addi %add3A_65, %mul3A_2 : i32
    %add3A_67 = arith.constant 80 : i32
    %add3A_68 = arith.addi %add3A_66, %add3A_67 : i32
    %multiple_of3A_69 = tpu.assume_multiple %add3A_68, 8 : i32
    %dma_wait3A_70 = tpu.memref_slice %arg3[%multiple_of3A_69] : memref<640000xi32, #tpu.memory_space<hbm>> -> memref<80xi32, #tpu.memory_space<hbm>>
    %dma_wait3A_71 = tpu.memref_slice %arg3[%multiple_of3A_69] : memref<640000xi32, #tpu.memory_space<hbm>> -> memref<80xi32, #tpu.memory_space<hbm>>
    tpu.wait_dma2 semaphore(%arg25 : memref<!tpu.dma_semaphore, #tpu.memory_space<semaphore_mem>>) src(%dma_wait3A_71 : memref<80xi32, #tpu.memory_space<hbm>>) dst(%arg12 : memref<80xi32, #tpu.memory_space<vmem>>)
    %dma_start3A_72 = arith.constant 80 : i32
    %dma_start3A_73 = arith.constant 0 : i32
    %dma_start3A_74 = tpu.memref_slice %arg6[%dma_start3A_72, %dma_start3A_73] : memref<320x128xf32, #tpu.memory_space<vmem>> -> memref<80x128xf32, #tpu.memory_space<vmem>>
    %dma_start3A_75 = arith.constant 0 : i32
    %dma_start3A_76 = arith.constant 0 : i32
    %dma_start3A_77 = tpu.memref_slice %arg2[%dma_start3A_75, %dma_start3A_76] : memref<10000x128xf32, #tpu.memory_space<hbm>> -> memref<10000x128xf32, #tpu.memory_space<hbm>>
    tpu.enqueue_indirect_dma source(%dma_start3A_77 : memref<10000x128xf32, #tpu.memory_space<hbm>>) target(%dma_start3A_74 : memref<80x128xf32, #tpu.memory_space<vmem>>) offsets(%arg8 : memref<80xi32, #tpu.memory_space<vmem>>) semaphore(%arg21 : memref<!tpu.dma_semaphore, #tpu.memory_space<semaphore_mem>>)
    %add3A_78 = arith.constant 240 : i32
    %add3A_79 = arith.addi %mul3A_2, %add3A_78 : i32
    %multiple_of3A_80 = tpu.assume_multiple %add3A_79, 8 : i32
    %dma_start3A_81 = tpu.memref_slice %arg3[%multiple_of3A_80] : memref<640000xi32, #tpu.memory_space<hbm>> -> memref<80xi32, #tpu.memory_space<hbm>>
    %dma_start3A_82 = tpu.memref_slice %arg3[%multiple_of3A_80] : memref<640000xi32, #tpu.memory_space<hbm>> -> memref<80xi32, #tpu.memory_space<hbm>>
    tpu.enqueue_dma source(%dma_start3A_82 : memref<80xi32, #tpu.memory_space<hbm>>) target(%arg10 : memref<80xi32, #tpu.memory_space<vmem>>) target_semaphore(%arg27 : memref<!tpu.dma_semaphore, #tpu.memory_space<semaphore_mem>>)
    %add3A_83 = arith.constant 320000 : i32
    %add3A_84 = arith.addi %add3A_83, %mul3A_2 : i32
    %add3A_85 = arith.constant 240 : i32
    %add3A_86 = arith.addi %add3A_84, %add3A_85 : i32
    %multiple_of3A_87 = tpu.assume_multiple %add3A_86, 8 : i32
    %dma_start3A_88 = tpu.memref_slice %arg3[%multiple_of3A_87] : memref<640000xi32, #tpu.memory_space<hbm>> -> memref<80xi32, #tpu.memory_space<hbm>>
    %dma_start3A_89 = tpu.memref_slice %arg3[%multiple_of3A_87] : memref<640000xi32, #tpu.memory_space<hbm>> -> memref<80xi32, #tpu.memory_space<hbm>>
    tpu.enqueue_dma source(%dma_start3A_89 : memref<80xi32, #tpu.memory_space<hbm>>) target(%arg14 : memref<80xi32, #tpu.memory_space<vmem>>) target_semaphore(%arg27 : memref<!tpu.dma_semaphore, #tpu.memory_space<semaphore_mem>>)
    %add3A_90 = arith.constant 160 : i32
    %add3A_91 = arith.addi %mul3A_2, %add3A_90 : i32
    %multiple_of3A_92 = tpu.assume_multiple %add3A_91, 8 : i32
    %dma_wait3A_93 = tpu.memref_slice %arg3[%multiple_of3A_92] : memref<640000xi32, #tpu.memory_space<hbm>> -> memref<80xi32, #tpu.memory_space<hbm>>
    %dma_wait3A_94 = tpu.memref_slice %arg3[%multiple_of3A_92] : memref<640000xi32, #tpu.memory_space<hbm>> -> memref<80xi32, #tpu.memory_space<hbm>>
    tpu.wait_dma2 semaphore(%arg26 : memref<!tpu.dma_semaphore, #tpu.memory_space<semaphore_mem>>) src(%dma_wait3A_94 : memref<80xi32, #tpu.memory_space<hbm>>) dst(%arg9 : memref<80xi32, #tpu.memory_space<vmem>>)
    %add3A_95 = arith.constant 320000 : i32
    %add3A_96 = arith.addi %add3A_95, %mul3A_2 : i32
    %add3A_97 = arith.constant 160 : i32
    %add3A_98 = arith.addi %add3A_96, %add3A_97 : i32
    %multiple_of3A_99 = tpu.assume_multiple %add3A_98, 8 : i32
    %dma_wait3A_100 = tpu.memref_slice %arg3[%multiple_of3A_99] : memref<640000xi32, #tpu.memory_space<hbm>> -> memref<80xi32, #tpu.memory_space<hbm>>
    %dma_wait3A_101 = tpu.memref_slice %arg3[%multiple_of3A_99] : memref<640000xi32, #tpu.memory_space<hbm>> -> memref<80xi32, #tpu.memory_space<hbm>>
    tpu.wait_dma2 semaphore(%arg26 : memref<!tpu.dma_semaphore, #tpu.memory_space<semaphore_mem>>) src(%dma_wait3A_101 : memref<80xi32, #tpu.memory_space<hbm>>) dst(%arg13 : memref<80xi32, #tpu.memory_space<vmem>>)
    %dma_start3A_102 = arith.constant 160 : i32
    %dma_start3A_103 = arith.constant 0 : i32
    %dma_start3A_104 = tpu.memref_slice %arg6[%dma_start3A_102, %dma_start3A_103] : memref<320x128xf32, #tpu.memory_space<vmem>> -> memref<80x128xf32, #tpu.memory_space<vmem>>
    %dma_start3A_105 = arith.constant 0 : i32
    %dma_start3A_106 = arith.constant 0 : i32
    %dma_start3A_107 = tpu.memref_slice %arg2[%dma_start3A_105, %dma_start3A_106] : memref<10000x128xf32, #tpu.memory_space<hbm>> -> memref<10000x128xf32, #tpu.memory_space<hbm>>
    tpu.enqueue_indirect_dma source(%dma_start3A_107 : memref<10000x128xf32, #tpu.memory_space<hbm>>) target(%dma_start3A_104 : memref<80x128xf32, #tpu.memory_space<vmem>>) offsets(%arg9 : memref<80xi32, #tpu.memory_space<vmem>>) semaphore(%arg22 : memref<!tpu.dma_semaphore, #tpu.memory_space<semaphore_mem>>)
    %dma_wait3A_108 = arith.constant 0 : i32
    %dma_wait3A_109 = arith.constant 0 : i32
    %dma_wait3A_110 = tpu.memref_slice %arg6[%dma_wait3A_108, %dma_wait3A_109] : memref<320x128xf32, #tpu.memory_space<vmem>> -> memref<80x128xf32, #tpu.memory_space<vmem>>
    %dma_wait3A_111 = arith.constant 0 : i32
    %dma_wait3A_112 = arith.constant 0 : i32
    %dma_wait3A_113 = tpu.memref_slice %arg2[%dma_wait3A_111, %dma_wait3A_112] : memref<10000x128xf32, #tpu.memory_space<hbm>> -> memref<10000x128xf32, #tpu.memory_space<hbm>>
    tpu.wait_indirect_dma semaphore(%arg20 : memref<!tpu.dma_semaphore, #tpu.memory_space<semaphore_mem>>) src(%dma_wait3A_113 : memref<10000x128xf32, #tpu.memory_space<hbm>>) dst(%dma_wait3A_110 : memref<80x128xf32, #tpu.memory_space<vmem>>)
    %get3A = arith.constant 0 : index
    %get3A_114 = tpu.vector_load %arg11[%get3A] {strides = array<i32>} : memref<80xi32, #tpu.memory_space<vmem>>, vector<16xi32>,
    %get3A_115 = vector.shape_cast %get3A_114 : vector<16xi32> to vector<16xi32>
    %swap3A = arith.constant 0 : index
    %swap3A_116 = tpu.vector_load %arg15[%swap3A] {strides = array<i32>} : memref<80xi32, #tpu.memory_space<vmem>>, vector<16xi32>,
    %swap3A_117 = vector.shape_cast %swap3A_116 : vector<16xi32> to vector<16xi32>
    %swap3A_118 = vector.shape_cast %get3A_115 : vector<16xi32> to vector<16xi32>
    tpu.vector_store %arg15[%swap3A], %swap3A_118 {strides = array<i32>} : memref<80xi32, #tpu.memory_space<vmem>>, vector<16xi32>,
    %get3A_119 = arith.constant 16 : index
    %get3A_120 = tpu.vector_load %arg11[%get3A_119] {strides = array<i32>} : memref<80xi32, #tpu.memory_space<vmem>>, vector<16xi32>,
    %get3A_121 = vector.shape_cast %get3A_120 : vector<16xi32> to vector<16xi32>
    %swap3A_122 = arith.constant 16 : index
    %swap3A_123 = tpu.vector_load %arg15[%swap3A_122] {strides = array<i32>} : memref<80xi32, #tpu.memory_space<vmem>>, vector<16xi32>,
    %swap3A_124 = vector.shape_cast %swap3A_123 : vector<16xi32> to vector<16xi32>
    %swap3A_125 = vector.shape_cast %get3A_121 : vector<16xi32> to vector<16xi32>
    tpu.vector_store %arg15[%swap3A_122], %swap3A_125 {strides = array<i32>} : memref<80xi32, #tpu.memory_space<vmem>>, vector<16xi32>,
    %get3A_126 = arith.constant 32 : index
    %get3A_127 = tpu.vector_load %arg11[%get3A_126] {strides = array<i32>} : memref<80xi32, #tpu.memory_space<vmem>>, vector<16xi32>,
    %get3A_128 = vector.shape_cast %get3A_127 : vector<16xi32> to vector<16xi32>
    %swap3A_129 = arith.constant 32 : index
    %swap3A_130 = tpu.vector_load %arg15[%swap3A_129] {strides = array<i32>} : memref<80xi32, #tpu.memory_space<vmem>>, vector<16xi32>,
    %swap3A_131 = vector.shape_cast %swap3A_130 : vector<16xi32> to vector<16xi32>
    %swap3A_132 = vector.shape_cast %get3A_128 : vector<16xi32> to vector<16xi32>
    tpu.vector_store %arg15[%swap3A_129], %swap3A_132 {strides = array<i32>} : memref<80xi32, #tpu.memory_space<vmem>>, vector<16xi32>,
    %get3A_133 = arith.constant 48 : index
    %get3A_134 = tpu.vector_load %arg11[%get3A_133] {strides = array<i32>} : memref<80xi32, #tpu.memory_space<vmem>>, vector<16xi32>,
    %get3A_135 = vector.shape_cast %get3A_134 : vector<16xi32> to vector<16xi32>
    %swap3A_136 = arith.constant 48 : index
    %swap3A_137 = tpu.vector_load %arg15[%swap3A_136] {strides = array<i32>} : memref<80xi32, #tpu.memory_space<vmem>>, vector<16xi32>,
    %swap3A_138 = vector.shape_cast %swap3A_137 : vector<16xi32> to vector<16xi32>
    %swap3A_139 = vector.shape_cast %get3A_135 : vector<16xi32> to vector<16xi32>
    tpu.vector_store %arg15[%swap3A_136], %swap3A_139 {strides = array<i32>} : memref<80xi32, #tpu.memory_space<vmem>>, vector<16xi32>,
    %get3A_140 = arith.constant 64 : index
    %get3A_141 = tpu.vector_load %arg11[%get3A_140] {strides = array<i32>} : memref<80xi32, #tpu.memory_space<vmem>>, vector<16xi32>,
    %get3A_142 = vector.shape_cast %get3A_141 : vector<16xi32> to vector<16xi32>
    %swap3A_143 = arith.constant 64 : index
    %swap3A_144 = tpu.vector_load %arg15[%swap3A_143] {strides = array<i32>} : memref<80xi32, #tpu.memory_space<vmem>>, vector<16xi32>,
    %swap3A_145 = vector.shape_cast %swap3A_144 : vector<16xi32> to vector<16xi32>
    %swap3A_146 = vector.shape_cast %get3A_142 : vector<16xi32> to vector<16xi32>
    tpu.vector_store %arg15[%swap3A_143], %swap3A_146 {strides = array<i32>} : memref<80xi32, #tpu.memory_space<vmem>>, vector<16xi32>,
    %dma_start3A_147 = arith.constant 0 : i32
    %dma_start3A_148 = arith.constant 0 : i32
    %dma_start3A_149 = tpu.memref_slice %arg6[%dma_start3A_147, %dma_start3A_148] : memref<320x128xf32, #tpu.memory_space<vmem>> -> memref<80x128xf32, #tpu.memory_space<vmem>>
    %dma_start3A_150 = arith.constant 0 : i32
    %dma_start3A_151 = arith.constant 0 : i32
    %dma_start3A_152 = tpu.memref_slice %arg19[%dma_start3A_150, %dma_start3A_151] : memref<10240x128xf32, #tpu.memory_space<vmem_shared>> -> memref<10240x128xf32, #tpu.memory_space<vmem_shared>>
    tpu.enqueue_indirect_dma source(%dma_start3A_149 : memref<80x128xf32, #tpu.memory_space<vmem>>) target(%dma_start3A_152 : memref<10240x128xf32, #tpu.memory_space<vmem_shared>>) offsets(%arg15 : memref<80xi32, #tpu.memory_space<vmem>>) semaphore(%arg28 : memref<!tpu.dma_semaphore, #tpu.memory_space<semaphore_mem>>) {add = true}
    %add3A_153 = arith.constant 320 : i32
    %add3A_154 = arith.addi %mul3A_2, %add3A_153 : i32
    %multiple_of3A_155 = tpu.assume_multiple %add3A_154, 8 : i32
    %dma_start3A_156 = tpu.memref_slice %arg3[%multiple_of3A_155] : memref<640000xi32, #tpu.memory_space<hbm>> -> memref<80xi32, #tpu.memory_space<hbm>>
    %dma_start3A_157 = tpu.memref_slice %arg3[%multiple_of3A_155] : memref<640000xi32, #tpu.memory_space<hbm>> -> memref<80xi32, #tpu.memory_space<hbm>>
    tpu.enqueue_dma source(%dma_start3A_157 : memref<80xi32, #tpu.memory_space<hbm>>) target(%arg7 : memref<80xi32, #tpu.memory_space<vmem>>) target_semaphore(%arg24 : memref<!tpu.dma_semaphore, #tpu.memory_space<semaphore_mem>>)
    %add3A_158 = arith.constant 320000 : i32
    %add3A_159 = arith.addi %add3A_158, %mul3A_2 : i32
    %add3A_160 = arith.constant 320 : i32
    %add3A_161 = arith.addi %add3A_159, %add3A_160 : i32
    %multiple_of3A_162 = tpu.assume_multiple %add3A_161, 8 : i32
    %dma_start3A_163 = tpu.memref_slice %arg3[%multiple_of3A_162] : memref<640000xi32, #tpu.memory_space<hbm>> -> memref<80xi32, #tpu.memory_space<hbm>>
    %dma_start3A_164 = tpu.memref_slice %arg3[%multiple_of3A_162] : memref<640000xi32, #tpu.memory_space<hbm>> -> memref<80xi32, #tpu.memory_space<hbm>>
    tpu.enqueue_dma source(%dma_start3A_164 : memref<80xi32, #tpu.memory_space<hbm>>) target(%arg11 : memref<80xi32, #tpu.memory_space<vmem>>) target_semaphore(%arg24 : memref<!tpu.dma_semaphore, #tpu.memory_space<semaphore_mem>>)
    %add3A_165 = arith.constant 240 : i32
    %add3A_166 = arith.addi %mul3A_2, %add3A_165 : i32
    %multiple_of3A_167 = tpu.assume_multiple %add3A_166, 8 : i32
    %dma_wait3A_168 = tpu.memref_slice %arg3[%multiple_of3A_167] : memref<640000xi32, #tpu.memory_space<hbm>> -> memref<80xi32, #tpu.memory_space<hbm>>
    %dma_wait3A_169 = tpu.memref_slice %arg3[%multiple_of3A_167] : memref<640000xi32, #tpu.memory_space<hbm>> -> memref<80xi32, #tpu.memory_space<hbm>>
    tpu.wait_dma2 semaphore(%arg27 : memref<!tpu.dma_semaphore, #tpu.memory_space<semaphore_mem>>) src(%dma_wait3A_169 : memref<80xi32, #tpu.memory_space<hbm>>) dst(%arg10 : memref<80xi32, #tpu.memory_space<vmem>>)
    %add3A_170 = arith.constant 320000 : i32
    %add3A_171 = arith.addi %add3A_170, %mul3A_2 : i32
    %add3A_172 = arith.constant 240 : i32
    %add3A_173 = arith.addi %add3A_171, %add3A_172 : i32
    %multiple_of3A_174 = tpu.assume_multiple %add3A_173, 8 : i32
    %dma_wait3A_175 = tpu.memref_slice %arg3[%multiple_of3A_174] : memref<640000xi32, #tpu.memory_space<hbm>> -> memref<80xi32, #tpu.memory_space<hbm>>
    %dma_wait3A_176 = tpu.memref_slice %arg3[%multiple_of3A_174] : memref<640000xi32, #tpu.memory_space<hbm>> -> memref<80xi32, #tpu.memory_space<hbm>>
    tpu.wait_dma2 semaphore(%arg27 : memref<!tpu.dma_semaphore, #tpu.memory_space<semaphore_mem>>) src(%dma_wait3A_176 : memref<80xi32, #tpu.memory_space<hbm>>) dst(%arg14 : memref<80xi32, #tpu.memory_space<vmem>>)
    %dma_start3A_177 = arith.constant 240 : i32
    %dma_start3A_178 = arith.constant 0 : i32
    %dma_start3A_179 = tpu.memref_slice %arg6[%dma_start3A_177, %dma_start3A_178] : memref<320x128xf32, #tpu.memory_space<vmem>> -> memref<80x128xf32, #tpu.memory_space<vmem>>
    %dma_start3A_180 = arith.constant 0 : i32
    %dma_start3A_181 = arith.constant 0 : i32
    %dma_start3A_182 = tpu.memref_slice %arg2[%dma_start3A_180, %dma_start3A_181] : memref<10000x128xf32, #tpu.memory_space<hbm>> -> memref<10000x128xf32, #tpu.memory_space<hbm>>
    tpu.enqueue_indirect_dma source(%dma_start3A_182 : memref<10000x128xf32, #tpu.memory_space<hbm>>) target(%dma_start3A_179 : memref<80x128xf32, #tpu.memory_space<vmem>>) offsets(%arg10 : memref<80xi32, #tpu.memory_space<vmem>>) semaphore(%arg23 : memref<!tpu.dma_semaphore, #tpu.memory_space<semaphore_mem>>)
    %dma_wait3A_183 = arith.constant 80 : i32
    %dma_wait3A_184 = arith.constant 0 : i32
    %dma_wait3A_185 = tpu.memref_slice %arg6[%dma_wait3A_183, %dma_wait3A_184] : memref<320x128xf32, #tpu.memory_space<vmem>> -> memref<80x128xf32, #tpu.memory_space<vmem>>
    %dma_wait3A_186 = arith.constant 0 : i32
    %dma_wait3A_187 = arith.constant 0 : i32
    %dma_wait3A_188 = tpu.memref_slice %arg2[%dma_wait3A_186, %dma_wait3A_187] : memref<10000x128xf32, #tpu.memory_space<hbm>> -> memref<10000x128xf32, #tpu.memory_space<hbm>>
    tpu.wait_indirect_dma semaphore(%arg21 : memref<!tpu.dma_semaphore, #tpu.memory_space<semaphore_mem>>) src(%dma_wait3A_188 : memref<10000x128xf32, #tpu.memory_space<hbm>>) dst(%dma_wait3A_185 : memref<80x128xf32, #tpu.memory_space<vmem>>)
    %get3A_189 = arith.constant 0 : index
    %get3A_190 = tpu.vector_load %arg12[%get3A_189] {strides = array<i32>} : memref<80xi32, #tpu.memory_space<vmem>>, vector<16xi32>,
    %get3A_191 = vector.shape_cast %get3A_190 : vector<16xi32> to vector<16xi32>
    %swap3A_192 = arith.constant 0 : index
    %swap3A_193 = tpu.vector_load %arg16[%swap3A_192] {strides = array<i32>} : memref<80xi32, #tpu.memory_space<vmem>>, vector<16xi32>,
    %swap3A_194 = vector.shape_cast %swap3A_193 : vector<16xi32> to vector<16xi32>
    %swap3A_195 = vector.shape_cast %get3A_191 : vector<16xi32> to vector<16xi32>
    tpu.vector_store %arg16[%swap3A_192], %swap3A_195 {strides = array<i32>} : memref<80xi32, #tpu.memory_space<vmem>>, vector<16xi32>,
    %get3A_196 = arith.constant 16 : index
    %get3A_197 = tpu.vector_load %arg12[%get3A_196] {strides = array<i32>} : memref<80xi32, #tpu.memory_space<vmem>>, vector<16xi32>,
    %get3A_198 = vector.shape_cast %get3A_197 : vector<16xi32> to vector<16xi32>
    %swap3A_199 = arith.constant 16 : index
    %swap3A_200 = tpu.vector_load %arg16[%swap3A_199] {strides = array<i32>} : memref<80xi32, #tpu.memory_space<vmem>>, vector<16xi32>,
    %swap3A_201 = vector.shape_cast %swap3A_200 : vector<16xi32> to vector<16xi32>
    %swap3A_202 = vector.shape_cast %get3A_198 : vector<16xi32> to vector<16xi32>
    tpu.vector_store %arg16[%swap3A_199], %swap3A_202 {strides = array<i32>} : memref<80xi32, #tpu.memory_space<vmem>>, vector<16xi32>,
    %get3A_203 = arith.constant 32 : index
    %get3A_204 = tpu.vector_load %arg12[%get3A_203] {strides = array<i32>} : memref<80xi32, #tpu.memory_space<vmem>>, vector<16xi32>,
    %get3A_205 = vector.shape_cast %get3A_204 : vector<16xi32> to vector<16xi32>
    %swap3A_206 = arith.constant 32 : index
    %swap3A_207 = tpu.vector_load %arg16[%swap3A_206] {strides = array<i32>} : memref<80xi32, #tpu.memory_space<vmem>>, vector<16xi32>,
    %swap3A_208 = vector.shape_cast %swap3A_207 : vector<16xi32> to vector<16xi32>
    %swap3A_209 = vector.shape_cast %get3A_205 : vector<16xi32> to vector<16xi32>
    tpu.vector_store %arg16[%swap3A_206], %swap3A_209 {strides = array<i32>} : memref<80xi32, #tpu.memory_space<vmem>>, vector<16xi32>,
    %get3A_210 = arith.constant 48 : index
    %get3A_211 = tpu.vector_load %arg12[%get3A_210] {strides = array<i32>} : memref<80xi32, #tpu.memory_space<vmem>>, vector<16xi32>,
    %get3A_212 = vector.shape_cast %get3A_211 : vector<16xi32> to vector<16xi32>
    %swap3A_213 = arith.constant 48 : index
    %swap3A_214 = tpu.vector_load %arg16[%swap3A_213] {strides = array<i32>} : memref<80xi32, #tpu.memory_space<vmem>>, vector<16xi32>,
    %swap3A_215 = vector.shape_cast %swap3A_214 : vector<16xi32> to vector<16xi32>
    %swap3A_216 = vector.shape_cast %get3A_212 : vector<16xi32> to vector<16xi32>
    tpu.vector_store %arg16[%swap3A_213], %swap3A_216 {strides = array<i32>} : memref<80xi32, #tpu.memory_space<vmem>>, vector<16xi32>,
    %get3A_217 = arith.constant 64 : index
    %get3A_218 = tpu.vector_load %arg12[%get3A_217] {strides = array<i32>} : memref<80xi32, #tpu.memory_space<vmem>>, vector<16xi32>,
    %get3A_219 = vector.shape_cast %get3A_218 : vector<16xi32> to vector<16xi32>
    %swap3A_220 = arith.constant 64 : index
    %swap3A_221 = tpu.vector_load %arg16[%swap3A_220] {strides = array<i32>} : memref<80xi32, #tpu.memory_space<vmem>>, vector<16xi32>,
    %swap3A_222 = vector.shape_cast %swap3A_221 : vector<16xi32> to vector<16xi32>
    %swap3A_223 = vector.shape_cast %get3A_219 : vector<16xi32> to vector<16xi32>
    tpu.vector_store %arg16[%swap3A_220], %swap3A_223 {strides = array<i32>} : memref<80xi32, #tpu.memory_space<vmem>>, vector<16xi32>,
    %dma_start3A_224 = arith.constant 80 : i32
    %dma_start3A_225 = arith.constant 0 : i32
    %dma_start3A_226 = tpu.memref_slice %arg6[%dma_start3A_224, %dma_start3A_225] : memref<320x128xf32, #tpu.memory_space<vmem>> -> memref<80x128xf32, #tpu.memory_space<vmem>>
    %dma_start3A_227 = arith.constant 0 : i32
    %dma_start3A_228 = arith.constant 0 : i32
    %dma_start3A_229 = tpu.memref_slice %arg19[%dma_start3A_227, %dma_start3A_228] : memref<10240x128xf32, #tpu.memory_space<vmem_shared>> -> memref<10240x128xf32, #tpu.memory_space<vmem_shared>>
    tpu.enqueue_indirect_dma source(%dma_start3A_226 : memref<80x128xf32, #tpu.memory_space<vmem>>) target(%dma_start3A_229 : memref<10240x128xf32, #tpu.memory_space<vmem_shared>>) offsets(%arg16 : memref<80xi32, #tpu.memory_space<vmem>>) semaphore(%arg29 : memref<!tpu.dma_semaphore, #tpu.memory_space<semaphore_mem>>) {add = true}
    %add3A_230 = arith.constant 400 : i32
    %add3A_231 = arith.addi %mul3A_2, %add3A_230 : i32
    %multiple_of3A_232 = tpu.assume_multiple %add3A_231, 8 : i32
    %dma_start3A_233 = tpu.memref_slice %arg3[%multiple_of3A_232] : memref<640000xi32, #tpu.memory_space<hbm>> -> memref<80xi32, #tpu.memory_space<hbm>>
    %dma_start3A_234 = tpu.memref_slice %arg3[%multiple_of3A_232] : memref<640000xi32, #tpu.memory_space<hbm>> -> memref<80xi32, #tpu.memory_space<hbm>>
    tpu.enqueue_dma source(%dma_start3A_234 : memref<80xi32, #tpu.memory_space<hbm>>) target(%arg8 : memref<80xi32, #tpu.memory_space<vmem>>) target_semaphore(%arg25 : memref<!tpu.dma_semaphore, #tpu.memory_space<semaphore_mem>>)
    %add3A_235 = arith.constant 320000 : i32
    %add3A_236 = arith.addi %add3A_235, %mul3A_2 : i32
    %add3A_237 = arith.constant 400 : i32
    %add3A_238 = arith.addi %add3A_236, %add3A_237 : i32
    %multiple_of3A_239 = tpu.assume_multiple %add3A_238, 8 : i32
    %dma_start3A_240 = tpu.memref_slice %arg3[%multiple_of3A_239] : memref<640000xi32, #tpu.memory_space<hbm>> -> memref<80xi32, #tpu.memory_space<hbm>>
    %dma_start3A_241 = tpu.memref_slice %arg3[%multiple_of3A_239] : memref<640000xi32, #tpu.memory_space<hbm>> -> memref<80xi32, #tpu.memory_space<hbm>>
    tpu.enqueue_dma source(%dma_start3A_241 : memref<80xi32, #tpu.memory_space<hbm>>) target(%arg12 : memref<80xi32, #tpu.memory_space<vmem>>) target_semaphore(%arg25 : memref<!tpu.dma_semaphore, #tpu.memory_space<semaphore_mem>>)
    %scan3A = arith.constant 0 : i32
    %scan3A_242 = arith.constant 0 : i32
    %scan3A_243 = arith.constant 29 : i32
    %scan3A_244 = arith.addi %scan3A_242, %scan3A_243 : i32
    %scan3A_245 = arith.constant 1 : i32
    scf.for %scan3A_761 = %scan3A_242 to %scan3A_244 step %scan3A_245  : i32 {
      %mul3A_762 = arith.constant 4 : i32
      %mul3A_763 = arith.muli %mul3A_762, %scan3A_761 : i32
      %add3A_764 = arith.constant 4 : i32
      %add3A_765 = arith.addi %add3A_764, %mul3A_763 : i32
      %add3A_766 = arith.constant 0 : i32
      %add3A_767 = arith.addi %add3A_765, %add3A_766 : i32
      %dma_wait3A_768 = arith.constant 0 : i32
      %dma_wait3A_769 = arith.constant 0 : i32
      %dma_wait3A_770 = tpu.memref_slice %arg6[%dma_wait3A_768, %dma_wait3A_769] : memref<320x128xf32, #tpu.memory_space<vmem>> -> memref<80x128xf32, #tpu.memory_space<vmem>>
      %dma_wait3A_771 = arith.constant 0 : i32
      %dma_wait3A_772 = arith.constant 0 : i32
      %dma_wait3A_773 = tpu.memref_slice %arg19[%dma_wait3A_771, %dma_wait3A_772] : memref<10240x128xf32, #tpu.memory_space<vmem_shared>> -> memref<10240x128xf32, #tpu.memory_space<vmem_shared>>
      tpu.wait_indirect_dma semaphore(%arg28 : memref<!tpu.dma_semaphore, #tpu.memory_space<semaphore_mem>>) src(%dma_wait3A_770 : memref<80x128xf32, #tpu.memory_space<vmem>>) dst(%dma_wait3A_773 : memref<10240x128xf32, #tpu.memory_space<vmem_shared>>)
      %mul3A_774 = arith.constant 80 : i32
      %mul3A_775 = arith.muli %add3A_767, %mul3A_774 : i32
      %add3A_776 = arith.addi %mul3A_2, %mul3A_775 : i32
      %multiple_of3A_777 = tpu.assume_multiple %add3A_776, 8 : i32
      %dma_wait3A_778 = tpu.memref_slice %arg3[%multiple_of3A_777] : memref<640000xi32, #tpu.memory_space<hbm>> -> memref<80xi32, #tpu.memory_space<hbm>>
      %dma_wait3A_779 = tpu.memref_slice %arg3[%multiple_of3A_777] : memref<640000xi32, #tpu.memory_space<hbm>> -> memref<80xi32, #tpu.memory_space<hbm>>
      tpu.wait_dma2 semaphore(%arg24 : memref<!tpu.dma_semaphore, #tpu.memory_space<semaphore_mem>>) src(%dma_wait3A_779 : memref<80xi32, #tpu.memory_space<hbm>>) dst(%arg7 : memref<80xi32, #tpu.memory_space<vmem>>)
      %add3A_780 = arith.constant 320000 : i32
      %add3A_781 = arith.addi %add3A_780, %mul3A_2 : i32
      %mul3A_782 = arith.constant 80 : i32
      %mul3A_783 = arith.muli %add3A_767, %mul3A_782 : i32
      %add3A_784 = arith.addi %add3A_781, %mul3A_783 : i32
      %multiple_of3A_785 = tpu.assume_multiple %add3A_784, 8 : i32
      %dma_wait3A_786 = tpu.memref_slice %arg3[%multiple_of3A_785] : memref<640000xi32, #tpu.memory_space<hbm>> -> memref<80xi32, #tpu.memory_space<hbm>>
      %dma_wait3A_787 = tpu.memref_slice %arg3[%multiple_of3A_785] : memref<640000xi32, #tpu.memory_space<hbm>> -> memref<80xi32, #tpu.memory_space<hbm>>
      tpu.wait_dma2 semaphore(%arg24 : memref<!tpu.dma_semaphore, #tpu.memory_space<semaphore_mem>>) src(%dma_wait3A_787 : memref<80xi32, #tpu.memory_space<hbm>>) dst(%arg11 : memref<80xi32, #tpu.memory_space<vmem>>)
      %dma_start3A_788 = arith.constant 0 : i32
      %dma_start3A_789 = arith.constant 0 : i32
      %dma_start3A_790 = tpu.memref_slice %arg6[%dma_start3A_788, %dma_start3A_789] : memref<320x128xf32, #tpu.memory_space<vmem>> -> memref<80x128xf32, #tpu.memory_space<vmem>>
      %dma_start3A_791 = arith.constant 0 : i32
      %dma_start3A_792 = arith.constant 0 : i32
      %dma_start3A_793 = tpu.memref_slice %arg2[%dma_start3A_791, %dma_start3A_792] : memref<10000x128xf32, #tpu.memory_space<hbm>> -> memref<10000x128xf32, #tpu.memory_space<hbm>>
      tpu.enqueue_indirect_dma source(%dma_start3A_793 : memref<10000x128xf32, #tpu.memory_space<hbm>>) target(%dma_start3A_790 : memref<80x128xf32, #tpu.memory_space<vmem>>) offsets(%arg7 : memref<80xi32, #tpu.memory_space<vmem>>) semaphore(%arg20 : memref<!tpu.dma_semaphore, #tpu.memory_space<semaphore_mem>>)
      %dma_wait3A_794 = arith.constant 160 : i32
      %dma_wait3A_795 = arith.constant 0 : i32
      %dma_wait3A_796 = tpu.memref_slice %arg6[%dma_wait3A_794, %dma_wait3A_795] : memref<320x128xf32, #tpu.memory_space<vmem>> -> memref<80x128xf32, #tpu.memory_space<vmem>>
      %dma_wait3A_797 = arith.constant 0 : i32
      %dma_wait3A_798 = arith.constant 0 : i32
      %dma_wait3A_799 = tpu.memref_slice %arg2[%dma_wait3A_797, %dma_wait3A_798] : memref<10000x128xf32, #tpu.memory_space<hbm>> -> memref<10000x128xf32, #tpu.memory_space<hbm>>
      tpu.wait_indirect_dma semaphore(%arg22 : memref<!tpu.dma_semaphore, #tpu.memory_space<semaphore_mem>>) src(%dma_wait3A_799 : memref<10000x128xf32, #tpu.memory_space<hbm>>) dst(%dma_wait3A_796 : memref<80x128xf32, #tpu.memory_space<vmem>>)
      %get3A_800 = arith.constant 0 : index
      %get3A_801 = tpu.vector_load %arg13[%get3A_800] {strides = array<i32>} : memref<80xi32, #tpu.memory_space<vmem>>, vector<16xi32>,
      %get3A_802 = vector.shape_cast %get3A_801 : vector<16xi32> to vector<16xi32>
      %swap3A_803 = arith.constant 0 : index
      %swap3A_804 = tpu.vector_load %arg17[%swap3A_803] {strides = array<i32>} : memref<80xi32, #tpu.memory_space<vmem>>, vector<16xi32>,
      %swap3A_805 = vector.shape_cast %swap3A_804 : vector<16xi32> to vector<16xi32>
      %swap3A_806 = vector.shape_cast %get3A_802 : vector<16xi32> to vector<16xi32>
      tpu.vector_store %arg17[%swap3A_803], %swap3A_806 {strides = array<i32>} : memref<80xi32, #tpu.memory_space<vmem>>, vector<16xi32>,
      %get3A_807 = arith.constant 16 : index
      %get3A_808 = tpu.vector_load %arg13[%get3A_807] {strides = array<i32>} : memref<80xi32, #tpu.memory_space<vmem>>, vector<16xi32>,
      %get3A_809 = vector.shape_cast %get3A_808 : vector<16xi32> to vector<16xi32>
      %swap3A_810 = arith.constant 16 : index
      %swap3A_811 = tpu.vector_load %arg17[%swap3A_810] {strides = array<i32>} : memref<80xi32, #tpu.memory_space<vmem>>, vector<16xi32>,
      %swap3A_812 = vector.shape_cast %swap3A_811 : vector<16xi32> to vector<16xi32>
      %swap3A_813 = vector.shape_cast %get3A_809 : vector<16xi32> to vector<16xi32>
      tpu.vector_store %arg17[%swap3A_810], %swap3A_813 {strides = array<i32>} : memref<80xi32, #tpu.memory_space<vmem>>, vector<16xi32>,
      %get3A_814 = arith.constant 32 : index
      %get3A_815 = tpu.vector_load %arg13[%get3A_814] {strides = array<i32>} : memref<80xi32, #tpu.memory_space<vmem>>, vector<16xi32>,
      %get3A_816 = vector.shape_cast %get3A_815 : vector<16xi32> to vector<16xi32>
      %swap3A_817 = arith.constant 32 : index
      %swap3A_818 = tpu.vector_load %arg17[%swap3A_817] {strides = array<i32>} : memref<80xi32, #tpu.memory_space<vmem>>, vector<16xi32>,
      %swap3A_819 = vector.shape_cast %swap3A_818 : vector<16xi32> to vector<16xi32>
      %swap3A_820 = vector.shape_cast %get3A_816 : vector<16xi32> to vector<16xi32>
      tpu.vector_store %arg17[%swap3A_817], %swap3A_820 {strides = array<i32>} : memref<80xi32, #tpu.memory_space<vmem>>, vector<16xi32>,
      %get3A_821 = arith.constant 48 : index
      %get3A_822 = tpu.vector_load %arg13[%get3A_821] {strides = array<i32>} : memref<80xi32, #tpu.memory_space<vmem>>, vector<16xi32>,
      %get3A_823 = vector.shape_cast %get3A_822 : vector<16xi32> to vector<16xi32>
      %swap3A_824 = arith.constant 48 : index
      %swap3A_825 = tpu.vector_load %arg17[%swap3A_824] {strides = array<i32>} : memref<80xi32, #tpu.memory_space<vmem>>, vector<16xi32>,
      %swap3A_826 = vector.shape_cast %swap3A_825 : vector<16xi32> to vector<16xi32>
      %swap3A_827 = vector.shape_cast %get3A_823 : vector<16xi32> to vector<16xi32>
      tpu.vector_store %arg17[%swap3A_824], %swap3A_827 {strides = array<i32>} : memref<80xi32, #tpu.memory_space<vmem>>, vector<16xi32>,
      %get3A_828 = arith.constant 64 : index
      %get3A_829 = tpu.vector_load %arg13[%get3A_828] {strides = array<i32>} : memref<80xi32, #tpu.memory_space<vmem>>, vector<16xi32>,
      %get3A_830 = vector.shape_cast %get3A_829 : vector<16xi32> to vector<16xi32>
      %swap3A_831 = arith.constant 64 : index
      %swap3A_832 = tpu.vector_load %arg17[%swap3A_831] {strides = array<i32>} : memref<80xi32, #tpu.memory_space<vmem>>, vector<16xi32>,
      %swap3A_833 = vector.shape_cast %swap3A_832 : vector<16xi32> to vector<16xi32>
      %swap3A_834 = vector.shape_cast %get3A_830 : vector<16xi32> to vector<16xi32>
      tpu.vector_store %arg17[%swap3A_831], %swap3A_834 {strides = array<i32>} : memref<80xi32, #tpu.memory_space<vmem>>, vector<16xi32>,
      %dma_start3A_835 = arith.constant 160 : i32
      %dma_start3A_836 = arith.constant 0 : i32
      %dma_start3A_837 = tpu.memref_slice %arg6[%dma_start3A_835, %dma_start3A_836] : memref<320x128xf32, #tpu.memory_space<vmem>> -> memref<80x128xf32, #tpu.memory_space<vmem>>
      %dma_start3A_838 = arith.constant 0 : i32
      %dma_start3A_839 = arith.constant 0 : i32
      %dma_start3A_840 = tpu.memref_slice %arg19[%dma_start3A_838, %dma_start3A_839] : memref<10240x128xf32, #tpu.memory_space<vmem_shared>> -> memref<10240x128xf32, #tpu.memory_space<vmem_shared>>
      tpu.enqueue_indirect_dma source(%dma_start3A_837 : memref<80x128xf32, #tpu.memory_space<vmem>>) target(%dma_start3A_840 : memref<10240x128xf32, #tpu.memory_space<vmem_shared>>) offsets(%arg17 : memref<80xi32, #tpu.memory_space<vmem>>) semaphore(%arg30 : memref<!tpu.dma_semaphore, #tpu.memory_space<semaphore_mem>>) {add = true}
      %add3A_841 = arith.constant 2 : i32
      %add3A_842 = arith.addi %add3A_767, %add3A_841 : i32
      %mul3A_843 = arith.constant 80 : i32
      %mul3A_844 = arith.muli %add3A_842, %mul3A_843 : i32
      %add3A_845 = arith.addi %mul3A_2, %mul3A_844 : i32
      %multiple_of3A_846 = tpu.assume_multiple %add3A_845, 8 : i32
      %dma_start3A_847 = tpu.memref_slice %arg3[%multiple_of3A_846] : memref<640000xi32, #tpu.memory_space<hbm>> -> memref<80xi32, #tpu.memory_space<hbm>>
      %dma_start3A_848 = tpu.memref_slice %arg3[%multiple_of3A_846] : memref<640000xi32, #tpu.memory_space<hbm>> -> memref<80xi32, #tpu.memory_space<hbm>>
      tpu.enqueue_dma source(%dma_start3A_848 : memref<80xi32, #tpu.memory_space<hbm>>) target(%arg9 : memref<80xi32, #tpu.memory_space<vmem>>) target_semaphore(%arg26 : memref<!tpu.dma_semaphore, #tpu.memory_space<semaphore_mem>>)
      %add3A_849 = arith.constant 320000 : i32
      %add3A_850 = arith.addi %add3A_849, %mul3A_2 : i32
      %mul3A_851 = arith.constant 80 : i32
      %mul3A_852 = arith.muli %add3A_842, %mul3A_851 : i32
      %add3A_853 = arith.addi %add3A_850, %mul3A_852 : i32
      %multiple_of3A_854 = tpu.assume_multiple %add3A_853, 8 : i32
      %dma_start3A_855 = tpu.memref_slice %arg3[%multiple_of3A_854] : memref<640000xi32, #tpu.memory_space<hbm>> -> memref<80xi32, #tpu.memory_space<hbm>>
      %dma_start3A_856 = tpu.memref_slice %arg3[%multiple_of3A_854] : memref<640000xi32, #tpu.memory_space<hbm>> -> memref<80xi32, #tpu.memory_space<hbm>>
      tpu.enqueue_dma source(%dma_start3A_856 : memref<80xi32, #tpu.memory_space<hbm>>) target(%arg13 : memref<80xi32, #tpu.memory_space<vmem>>) target_semaphore(%arg26 : memref<!tpu.dma_semaphore, #tpu.memory_space<semaphore_mem>>)
      %add3A_857 = arith.constant 1 : i32
      %add3A_858 = arith.addi %add3A_765, %add3A_857 : i32
      %dma_wait3A_859 = arith.constant 80 : i32
      %dma_wait3A_860 = arith.constant 0 : i32
      %dma_wait3A_861 = tpu.memref_slice %arg6[%dma_wait3A_859, %dma_wait3A_860] : memref<320x128xf32, #tpu.memory_space<vmem>> -> memref<80x128xf32, #tpu.memory_space<vmem>>
      %dma_wait3A_862 = arith.constant 0 : i32
      %dma_wait3A_863 = arith.constant 0 : i32
      %dma_wait3A_864 = tpu.memref_slice %arg19[%dma_wait3A_862, %dma_wait3A_863] : memref<10240x128xf32, #tpu.memory_space<vmem_shared>> -> memref<10240x128xf32, #tpu.memory_space<vmem_shared>>
      tpu.wait_indirect_dma semaphore(%arg29 : memref<!tpu.dma_semaphore, #tpu.memory_space<semaphore_mem>>) src(%dma_wait3A_861 : memref<80x128xf32, #tpu.memory_space<vmem>>) dst(%dma_wait3A_864 : memref<10240x128xf32, #tpu.memory_space<vmem_shared>>)
      %mul3A_865 = arith.constant 80 : i32
      %mul3A_866 = arith.muli %add3A_858, %mul3A_865 : i32
      %add3A_867 = arith.addi %mul3A_2, %mul3A_866 : i32
      %multiple_of3A_868 = tpu.assume_multiple %add3A_867, 8 : i32
      %dma_wait3A_869 = tpu.memref_slice %arg3[%multiple_of3A_868] : memref<640000xi32, #tpu.memory_space<hbm>> -> memref<80xi32, #tpu.memory_space<hbm>>
      %dma_wait3A_870 = tpu.memref_slice %arg3[%multiple_of3A_868] : memref<640000xi32, #tpu.memory_space<hbm>> -> memref<80xi32, #tpu.memory_space<hbm>>
      tpu.wait_dma2 semaphore(%arg25 : memref<!tpu.dma_semaphore, #tpu.memory_space<semaphore_mem>>) src(%dma_wait3A_870 : memref<80xi32, #tpu.memory_space<hbm>>) dst(%arg8 : memref<80xi32, #tpu.memory_space<vmem>>)
      %add3A_871 = arith.constant 320000 : i32
      %add3A_872 = arith.addi %add3A_871, %mul3A_2 : i32
      %mul3A_873 = arith.constant 80 : i32
      %mul3A_874 = arith.muli %add3A_858, %mul3A_873 : i32
      %add3A_875 = arith.addi %add3A_872, %mul3A_874 : i32
      %multiple_of3A_876 = tpu.assume_multiple %add3A_875, 8 : i32
      %dma_wait3A_877 = tpu.memref_slice %arg3[%multiple_of3A_876] : memref<640000xi32, #tpu.memory_space<hbm>> -> memref<80xi32, #tpu.memory_space<hbm>>
      %dma_wait3A_878 = tpu.memref_slice %arg3[%multiple_of3A_876] : memref<640000xi32, #tpu.memory_space<hbm>> -> memref<80xi32, #tpu.memory_space<hbm>>
      tpu.wait_dma2 semaphore(%arg25 : memref<!tpu.dma_semaphore, #tpu.memory_space<semaphore_mem>>) src(%dma_wait3A_878 : memref<80xi32, #tpu.memory_space<hbm>>) dst(%arg12 : memref<80xi32, #tpu.memory_space<vmem>>)
      %dma_start3A_879 = arith.constant 80 : i32
      %dma_start3A_880 = arith.constant 0 : i32
      %dma_start3A_881 = tpu.memref_slice %arg6[%dma_start3A_879, %dma_start3A_880] : memref<320x128xf32, #tpu.memory_space<vmem>> -> memref<80x128xf32, #tpu.memory_space<vmem>>
      %dma_start3A_882 = arith.constant 0 : i32
      %dma_start3A_883 = arith.constant 0 : i32
      %dma_start3A_884 = tpu.memref_slice %arg2[%dma_start3A_882, %dma_start3A_883] : memref<10000x128xf32, #tpu.memory_space<hbm>> -> memref<10000x128xf32, #tpu.memory_space<hbm>>
      tpu.enqueue_indirect_dma source(%dma_start3A_884 : memref<10000x128xf32, #tpu.memory_space<hbm>>) target(%dma_start3A_881 : memref<80x128xf32, #tpu.memory_space<vmem>>) offsets(%arg8 : memref<80xi32, #tpu.memory_space<vmem>>) semaphore(%arg21 : memref<!tpu.dma_semaphore, #tpu.memory_space<semaphore_mem>>)
      %dma_wait3A_885 = arith.constant 240 : i32
      %dma_wait3A_886 = arith.constant 0 : i32
      %dma_wait3A_887 = tpu.memref_slice %arg6[%dma_wait3A_885, %dma_wait3A_886] : memref<320x128xf32, #tpu.memory_space<vmem>> -> memref<80x128xf32, #tpu.memory_space<vmem>>
      %dma_wait3A_888 = arith.constant 0 : i32
      %dma_wait3A_889 = arith.constant 0 : i32
      %dma_wait3A_890 = tpu.memref_slice %arg2[%dma_wait3A_888, %dma_wait3A_889] : memref<10000x128xf32, #tpu.memory_space<hbm>> -> memref<10000x128xf32, #tpu.memory_space<hbm>>
      tpu.wait_indirect_dma semaphore(%arg23 : memref<!tpu.dma_semaphore, #tpu.memory_space<semaphore_mem>>) src(%dma_wait3A_890 : memref<10000x128xf32, #tpu.memory_space<hbm>>) dst(%dma_wait3A_887 : memref<80x128xf32, #tpu.memory_space<vmem>>)
      %get3A_891 = arith.constant 0 : index
      %get3A_892 = tpu.vector_load %arg14[%get3A_891] {strides = array<i32>} : memref<80xi32, #tpu.memory_space<vmem>>, vector<16xi32>,
      %get3A_893 = vector.shape_cast %get3A_892 : vector<16xi32> to vector<16xi32>
      %swap3A_894 = arith.constant 0 : index
      %swap3A_895 = tpu.vector_load %arg18[%swap3A_894] {strides = array<i32>} : memref<80xi32, #tpu.memory_space<vmem>>, vector<16xi32>,
      %swap3A_896 = vector.shape_cast %swap3A_895 : vector<16xi32> to vector<16xi32>
      %swap3A_897 = vector.shape_cast %get3A_893 : vector<16xi32> to vector<16xi32>
      tpu.vector_store %arg18[%swap3A_894], %swap3A_897 {strides = array<i32>} : memref<80xi32, #tpu.memory_space<vmem>>, vector<16xi32>,
      %get3A_898 = arith.constant 16 : index
      %get3A_899 = tpu.vector_load %arg14[%get3A_898] {strides = array<i32>} : memref<80xi32, #tpu.memory_space<vmem>>, vector<16xi32>,
      %get3A_900 = vector.shape_cast %get3A_899 : vector<16xi32> to vector<16xi32>
      %swap3A_901 = arith.constant 16 : index
      %swap3A_902 = tpu.vector_load %arg18[%swap3A_901] {strides = array<i32>} : memref<80xi32, #tpu.memory_space<vmem>>, vector<16xi32>,
      %swap3A_903 = vector.shape_cast %swap3A_902 : vector<16xi32> to vector<16xi32>
      %swap3A_904 = vector.shape_cast %get3A_900 : vector<16xi32> to vector<16xi32>
      tpu.vector_store %arg18[%swap3A_901], %swap3A_904 {strides = array<i32>} : memref<80xi32, #tpu.memory_space<vmem>>, vector<16xi32>,
      %get3A_905 = arith.constant 32 : index
      %get3A_906 = tpu.vector_load %arg14[%get3A_905] {strides = array<i32>} : memref<80xi32, #tpu.memory_space<vmem>>, vector<16xi32>,
      %get3A_907 = vector.shape_cast %get3A_906 : vector<16xi32> to vector<16xi32>
      %swap3A_908 = arith.constant 32 : index
      %swap3A_909 = tpu.vector_load %arg18[%swap3A_908] {strides = array<i32>} : memref<80xi32, #tpu.memory_space<vmem>>, vector<16xi32>,
      %swap3A_910 = vector.shape_cast %swap3A_909 : vector<16xi32> to vector<16xi32>
      %swap3A_911 = vector.shape_cast %get3A_907 : vector<16xi32> to vector<16xi32>
      tpu.vector_store %arg18[%swap3A_908], %swap3A_911 {strides = array<i32>} : memref<80xi32, #tpu.memory_space<vmem>>, vector<16xi32>,
      %get3A_912 = arith.constant 48 : index
      %get3A_913 = tpu.vector_load %arg14[%get3A_912] {strides = array<i32>} : memref<80xi32, #tpu.memory_space<vmem>>, vector<16xi32>,
      %get3A_914 = vector.shape_cast %get3A_913 : vector<16xi32> to vector<16xi32>
      %swap3A_915 = arith.constant 48 : index
      %swap3A_916 = tpu.vector_load %arg18[%swap3A_915] {strides = array<i32>} : memref<80xi32, #tpu.memory_space<vmem>>, vector<16xi32>,
      %swap3A_917 = vector.shape_cast %swap3A_916 : vector<16xi32> to vector<16xi32>
      %swap3A_918 = vector.shape_cast %get3A_914 : vector<16xi32> to vector<16xi32>
      tpu.vector_store %arg18[%swap3A_915], %swap3A_918 {strides = array<i32>} : memref<80xi32, #tpu.memory_space<vmem>>, vector<16xi32>,
      %get3A_919 = arith.constant 64 : index
      %get3A_920 = tpu.vector_load %arg14[%get3A_919] {strides = array<i32>} : memref<80xi32, #tpu.memory_space<vmem>>, vector<16xi32>,
      %get3A_921 = vector.shape_cast %get3A_920 : vector<16xi32> to vector<16xi32>
      %swap3A_922 = arith.constant 64 : index
      %swap3A_923 = tpu.vector_load %arg18[%swap3A_922] {strides = array<i32>} : memref<80xi32, #tpu.memory_space<vmem>>, vector<16xi32>,
      %swap3A_924 = vector.shape_cast %swap3A_923 : vector<16xi32> to vector<16xi32>
      %swap3A_925 = vector.shape_cast %get3A_921 : vector<16xi32> to vector<16xi32>
      tpu.vector_store %arg18[%swap3A_922], %swap3A_925 {strides = array<i32>} : memref<80xi32, #tpu.memory_space<vmem>>, vector<16xi32>,
      %dma_start3A_926 = arith.constant 240 : i32
      %dma_start3A_927 = arith.constant 0 : i32
      %dma_start3A_928 = tpu.memref_slice %arg6[%dma_start3A_926, %dma_start3A_927] : memref<320x128xf32, #tpu.memory_space<vmem>> -> memref<80x128xf32, #tpu.memory_space<vmem>>
      %dma_start3A_929 = arith.constant 0 : i32
      %dma_start3A_930 = arith.constant 0 : i32
      %dma_start3A_931 = tpu.memref_slice %arg19[%dma_start3A_929, %dma_start3A_930] : memref<10240x128xf32, #tpu.memory_space<vmem_shared>> -> memref<10240x128xf32, #tpu.memory_space<vmem_shared>>
      tpu.enqueue_indirect_dma source(%dma_start3A_928 : memref<80x128xf32, #tpu.memory_space<vmem>>) target(%dma_start3A_931 : memref<10240x128xf32, #tpu.memory_space<vmem_shared>>) offsets(%arg18 : memref<80xi32, #tpu.memory_space<vmem>>) semaphore(%arg31 : memref<!tpu.dma_semaphore, #tpu.memory_space<semaphore_mem>>) {add = true}
      %add3A_932 = arith.constant 2 : i32
      %add3A_933 = arith.addi %add3A_858, %add3A_932 : i32
      %mul3A_934 = arith.constant 80 : i32
      %mul3A_935 = arith.muli %add3A_933, %mul3A_934 : i32
      %add3A_936 = arith.addi %mul3A_2, %mul3A_935 : i32
      %multiple_of3A_937 = tpu.assume_multiple %add3A_936, 8 : i32
      %dma_start3A_938 = tpu.memref_slice %arg3[%multiple_of3A_937] : memref<640000xi32, #tpu.memory_space<hbm>> -> memref<80xi32, #tpu.memory_space<hbm>>
      %dma_start3A_939 = tpu.memref_slice %arg3[%multiple_of3A_937] : memref<640000xi32, #tpu.memory_space<hbm>> -> memref<80xi32, #tpu.memory_space<hbm>>
      tpu.enqueue_dma source(%dma_start3A_939 : memref<80xi32, #tpu.memory_space<hbm>>) target(%arg10 : memref<80xi32, #tpu.memory_space<vmem>>) target_semaphore(%arg27 : memref<!tpu.dma_semaphore, #tpu.memory_space<semaphore_mem>>)
      %add3A_940 = arith.constant 320000 : i32
      %add3A_941 = arith.addi %add3A_940, %mul3A_2 : i32
      %mul3A_942 = arith.constant 80 : i32
      %mul3A_943 = arith.muli %add3A_933, %mul3A_942 : i32
      %add3A_944 = arith.addi %add3A_941, %mul3A_943 : i32
      %multiple_of3A_945 = tpu.assume_multiple %add3A_944, 8 : i32
      %dma_start3A_946 = tpu.memref_slice %arg3[%multiple_of3A_945] : memref<640000xi32, #tpu.memory_space<hbm>> -> memref<80xi32, #tpu.memory_space<hbm>>
      %dma_start3A_947 = tpu.memref_slice %arg3[%multiple_of3A_945] : memref<640000xi32, #tpu.memory_space<hbm>> -> memref<80xi32, #tpu.memory_space<hbm>>
      tpu.enqueue_dma source(%dma_start3A_947 : memref<80xi32, #tpu.memory_space<hbm>>) target(%arg14 : memref<80xi32, #tpu.memory_space<vmem>>) target_semaphore(%arg27 : memref<!tpu.dma_semaphore, #tpu.memory_space<semaphore_mem>>)
      %add3A_948 = arith.constant 2 : i32
      %add3A_949 = arith.addi %add3A_765, %add3A_948 : i32
      %dma_wait3A_950 = arith.constant 160 : i32
      %dma_wait3A_951 = arith.constant 0 : i32
      %dma_wait3A_952 = tpu.memref_slice %arg6[%dma_wait3A_950, %dma_wait3A_951] : memref<320x128xf32, #tpu.memory_space<vmem>> -> memref<80x128xf32, #tpu.memory_space<vmem>>
      %dma_wait3A_953 = arith.constant 0 : i32
      %dma_wait3A_954 = arith.constant 0 : i32
      %dma_wait3A_955 = tpu.memref_slice %arg19[%dma_wait3A_953, %dma_wait3A_954] : memref<10240x128xf32, #tpu.memory_space<vmem_shared>> -> memref<10240x128xf32, #tpu.memory_space<vmem_shared>>
      tpu.wait_indirect_dma semaphore(%arg30 : memref<!tpu.dma_semaphore, #tpu.memory_space<semaphore_mem>>) src(%dma_wait3A_952 : memref<80x128xf32, #tpu.memory_space<vmem>>) dst(%dma_wait3A_955 : memref<10240x128xf32, #tpu.memory_space<vmem_shared>>)
      %mul3A_956 = arith.constant 80 : i32
      %mul3A_957 = arith.muli %add3A_949, %mul3A_956 : i32
      %add3A_958 = arith.addi %mul3A_2, %mul3A_957 : i32
      %multiple_of3A_959 = tpu.assume_multiple %add3A_958, 8 : i32
      %dma_wait3A_960 = tpu.memref_slice %arg3[%multiple_of3A_959] : memref<640000xi32, #tpu.memory_space<hbm>> -> memref<80xi32, #tpu.memory_space<hbm>>
      %dma_wait3A_961 = tpu.memref_slice %arg3[%multiple_of3A_959] : memref<640000xi32, #tpu.memory_space<hbm>> -> memref<80xi32, #tpu.memory_space<hbm>>
      tpu.wait_dma2 semaphore(%arg26 : memref<!tpu.dma_semaphore, #tpu.memory_space<semaphore_mem>>) src(%dma_wait3A_961 : memref<80xi32, #tpu.memory_space<hbm>>) dst(%arg9 : memref<80xi32, #tpu.memory_space<vmem>>)
      %add3A_962 = arith.constant 320000 : i32
      %add3A_963 = arith.addi %add3A_962, %mul3A_2 : i32
      %mul3A_964 = arith.constant 80 : i32
      %mul3A_965 = arith.muli %add3A_949, %mul3A_964 : i32
      %add3A_966 = arith.addi %add3A_963, %mul3A_965 : i32
      %multiple_of3A_967 = tpu.assume_multiple %add3A_966, 8 : i32
      %dma_wait3A_968 = tpu.memref_slice %arg3[%multiple_of3A_967] : memref<640000xi32, #tpu.memory_space<hbm>> -> memref<80xi32, #tpu.memory_space<hbm>>
      %dma_wait3A_969 = tpu.memref_slice %arg3[%multiple_of3A_967] : memref<640000xi32, #tpu.memory_space<hbm>> -> memref<80xi32, #tpu.memory_space<hbm>>
      tpu.wait_dma2 semaphore(%arg26 : memref<!tpu.dma_semaphore, #tpu.memory_space<semaphore_mem>>) src(%dma_wait3A_969 : memref<80xi32, #tpu.memory_space<hbm>>) dst(%arg13 : memref<80xi32, #tpu.memory_space<vmem>>)
      %dma_start3A_970 = arith.constant 160 : i32
      %dma_start3A_971 = arith.constant 0 : i32
      %dma_start3A_972 = tpu.memref_slice %arg6[%dma_start3A_970, %dma_start3A_971] : memref<320x128xf32, #tpu.memory_space<vmem>> -> memref<80x128xf32, #tpu.memory_space<vmem>>
      %dma_start3A_973 = arith.constant 0 : i32
      %dma_start3A_974 = arith.constant 0 : i32
      %dma_start3A_975 = tpu.memref_slice %arg2[%dma_start3A_973, %dma_start3A_974] : memref<10000x128xf32, #tpu.memory_space<hbm>> -> memref<10000x128xf32, #tpu.memory_space<hbm>>
      tpu.enqueue_indirect_dma source(%dma_start3A_975 : memref<10000x128xf32, #tpu.memory_space<hbm>>) target(%dma_start3A_972 : memref<80x128xf32, #tpu.memory_space<vmem>>) offsets(%arg9 : memref<80xi32, #tpu.memory_space<vmem>>) semaphore(%arg22 : memref<!tpu.dma_semaphore, #tpu.memory_space<semaphore_mem>>)
      %dma_wait3A_976 = arith.constant 0 : i32
      %dma_wait3A_977 = arith.constant 0 : i32
      %dma_wait3A_978 = tpu.memref_slice %arg6[%dma_wait3A_976, %dma_wait3A_977] : memref<320x128xf32, #tpu.memory_space<vmem>> -> memref<80x128xf32, #tpu.memory_space<vmem>>
      %dma_wait3A_979 = arith.constant 0 : i32
      %dma_wait3A_980 = arith.constant 0 : i32
      %dma_wait3A_981 = tpu.memref_slice %arg2[%dma_wait3A_979, %dma_wait3A_980] : memref<10000x128xf32, #tpu.memory_space<hbm>> -> memref<10000x128xf32, #tpu.memory_space<hbm>>
      tpu.wait_indirect_dma semaphore(%arg20 : memref<!tpu.dma_semaphore, #tpu.memory_space<semaphore_mem>>) src(%dma_wait3A_981 : memref<10000x128xf32, #tpu.memory_space<hbm>>) dst(%dma_wait3A_978 : memref<80x128xf32, #tpu.memory_space<vmem>>)
      %get3A_982 = arith.constant 0 : index
      %get3A_983 = tpu.vector_load %arg11[%get3A_982] {strides = array<i32>} : memref<80xi32, #tpu.memory_space<vmem>>, vector<16xi32>,
      %get3A_984 = vector.shape_cast %get3A_983 : vector<16xi32> to vector<16xi32>
      %swap3A_985 = arith.constant 0 : index
      %swap3A_986 = tpu.vector_load %arg15[%swap3A_985] {strides = array<i32>} : memref<80xi32, #tpu.memory_space<vmem>>, vector<16xi32>,
      %swap3A_987 = vector.shape_cast %swap3A_986 : vector<16xi32> to vector<16xi32>
      %swap3A_988 = vector.shape_cast %get3A_984 : vector<16xi32> to vector<16xi32>
      tpu.vector_store %arg15[%swap3A_985], %swap3A_988 {strides = array<i32>} : memref<80xi32, #tpu.memory_space<vmem>>, vector<16xi32>,
      %get3A_989 = arith.constant 16 : index
      %get3A_990 = tpu.vector_load %arg11[%get3A_989] {strides = array<i32>} : memref<80xi32, #tpu.memory_space<vmem>>, vector<16xi32>,
      %get3A_991 = vector.shape_cast %get3A_990 : vector<16xi32> to vector<16xi32>
      %swap3A_992 = arith.constant 16 : index
      %swap3A_993 = tpu.vector_load %arg15[%swap3A_992] {strides = array<i32>} : memref<80xi32, #tpu.memory_space<vmem>>, vector<16xi32>,
      %swap3A_994 = vector.shape_cast %swap3A_993 : vector<16xi32> to vector<16xi32>
      %swap3A_995 = vector.shape_cast %get3A_991 : vector<16xi32> to vector<16xi32>
      tpu.vector_store %arg15[%swap3A_992], %swap3A_995 {strides = array<i32>} : memref<80xi32, #tpu.memory_space<vmem>>, vector<16xi32>,
      %get3A_996 = arith.constant 32 : index
      %get3A_997 = tpu.vector_load %arg11[%get3A_996] {strides = array<i32>} : memref<80xi32, #tpu.memory_space<vmem>>, vector<16xi32>,
      %get3A_998 = vector.shape_cast %get3A_997 : vector<16xi32> to vector<16xi32>
      %swap3A_999 = arith.constant 32 : index
      %swap3A_1000 = tpu.vector_load %arg15[%swap3A_999] {strides = array<i32>} : memref<80xi32, #tpu.memory_space<vmem>>, vector<16xi32>,
      %swap3A_1001 = vector.shape_cast %swap3A_1000 : vector<16xi32> to vector<16xi32>
      %swap3A_1002 = vector.shape_cast %get3A_998 : vector<16xi32> to vector<16xi32>
      tpu.vector_store %arg15[%swap3A_999], %swap3A_1002 {strides = array<i32>} : memref<80xi32, #tpu.memory_space<vmem>>, vector<16xi32>,
      %get3A_1003 = arith.constant 48 : index
      %get3A_1004 = tpu.vector_load %arg11[%get3A_1003] {strides = array<i32>} : memref<80xi32, #tpu.memory_space<vmem>>, vector<16xi32>,
      %get3A_1005 = vector.shape_cast %get3A_1004 : vector<16xi32> to vector<16xi32>
      %swap3A_1006 = arith.constant 48 : index
      %swap3A_1007 = tpu.vector_load %arg15[%swap3A_1006] {strides = array<i32>} : memref<80xi32, #tpu.memory_space<vmem>>, vector<16xi32>,
      %swap3A_1008 = vector.shape_cast %swap3A_1007 : vector<16xi32> to vector<16xi32>
      %swap3A_1009 = vector.shape_cast %get3A_1005 : vector<16xi32> to vector<16xi32>
      tpu.vector_store %arg15[%swap3A_1006], %swap3A_1009 {strides = array<i32>} : memref<80xi32, #tpu.memory_space<vmem>>, vector<16xi32>,
      %get3A_1010 = arith.constant 64 : index
      %get3A_1011 = tpu.vector_load %arg11[%get3A_1010] {strides = array<i32>} : memref<80xi32, #tpu.memory_space<vmem>>, vector<16xi32>,
      %get3A_1012 = vector.shape_cast %get3A_1011 : vector<16xi32> to vector<16xi32>
      %swap3A_1013 = arith.constant 64 : index
      %swap3A_1014 = tpu.vector_load %arg15[%swap3A_1013] {strides = array<i32>} : memref<80xi32, #tpu.memory_space<vmem>>, vector<16xi32>,
      %swap3A_1015 = vector.shape_cast %swap3A_1014 : vector<16xi32> to vector<16xi32>
      %swap3A_1016 = vector.shape_cast %get3A_1012 : vector<16xi32> to vector<16xi32>
      tpu.vector_store %arg15[%swap3A_1013], %swap3A_1016 {strides = array<i32>} : memref<80xi32, #tpu.memory_space<vmem>>, vector<16xi32>,
      %dma_start3A_1017 = arith.constant 0 : i32
      %dma_start3A_1018 = arith.constant 0 : i32
      %dma_start3A_1019 = tpu.memref_slice %arg6[%dma_start3A_1017, %dma_start3A_1018] : memref<320x128xf32, #tpu.memory_space<vmem>> -> memref<80x128xf32, #tpu.memory_space<vmem>>
      %dma_start3A_1020 = arith.constant 0 : i32
      %dma_start3A_1021 = arith.constant 0 : i32
      %dma_start3A_1022 = tpu.memref_slice %arg19[%dma_start3A_1020, %dma_start3A_1021] : memref<10240x128xf32, #tpu.memory_space<vmem_shared>> -> memref<10240x128xf32, #tpu.memory_space<vmem_shared>>
      tpu.enqueue_indirect_dma source(%dma_start3A_1019 : memref<80x128xf32, #tpu.memory_space<vmem>>) target(%dma_start3A_1022 : memref<10240x128xf32, #tpu.memory_space<vmem_shared>>) offsets(%arg15 : memref<80xi32, #tpu.memory_space<vmem>>) semaphore(%arg28 : memref<!tpu.dma_semaphore, #tpu.memory_space<semaphore_mem>>) {add = true}
      %add3A_1023 = arith.constant 2 : i32
      %add3A_1024 = arith.addi %add3A_949, %add3A_1023 : i32
      %mul3A_1025 = arith.constant 80 : i32
      %mul3A_1026 = arith.muli %add3A_1024, %mul3A_1025 : i32
      %add3A_1027 = arith.addi %mul3A_2, %mul3A_1026 : i32
      %multiple_of3A_1028 = tpu.assume_multiple %add3A_1027, 8 : i32
      %dma_start3A_1029 = tpu.memref_slice %arg3[%multiple_of3A_1028] : memref<640000xi32, #tpu.memory_space<hbm>> -> memref<80xi32, #tpu.memory_space<hbm>>
      %dma_start3A_1030 = tpu.memref_slice %arg3[%multiple_of3A_1028] : memref<640000xi32, #tpu.memory_space<hbm>> -> memref<80xi32, #tpu.memory_space<hbm>>
      tpu.enqueue_dma source(%dma_start3A_1030 : memref<80xi32, #tpu.memory_space<hbm>>) target(%arg7 : memref<80xi32, #tpu.memory_space<vmem>>) target_semaphore(%arg24 : memref<!tpu.dma_semaphore, #tpu.memory_space<semaphore_mem>>)
      %add3A_1031 = arith.constant 320000 : i32
      %add3A_1032 = arith.addi %add3A_1031, %mul3A_2 : i32
      %mul3A_1033 = arith.constant 80 : i32
      %mul3A_1034 = arith.muli %add3A_1024, %mul3A_1033 : i32
      %add3A_1035 = arith.addi %add3A_1032, %mul3A_1034 : i32
      %multiple_of3A_1036 = tpu.assume_multiple %add3A_1035, 8 : i32
      %dma_start3A_1037 = tpu.memref_slice %arg3[%multiple_of3A_1036] : memref<640000xi32, #tpu.memory_space<hbm>> -> memref<80xi32, #tpu.memory_space<hbm>>
      %dma_start3A_1038 = tpu.memref_slice %arg3[%multiple_of3A_1036] : memref<640000xi32, #tpu.memory_space<hbm>> -> memref<80xi32, #tpu.memory_space<hbm>>
      tpu.enqueue_dma source(%dma_start3A_1038 : memref<80xi32, #tpu.memory_space<hbm>>) target(%arg11 : memref<80xi32, #tpu.memory_space<vmem>>) target_semaphore(%arg24 : memref<!tpu.dma_semaphore, #tpu.memory_space<semaphore_mem>>)
      %add3A_1039 = arith.constant 3 : i32
      %add3A_1040 = arith.addi %add3A_765, %add3A_1039 : i32
      %dma_wait3A_1041 = arith.constant 240 : i32
      %dma_wait3A_1042 = arith.constant 0 : i32
      %dma_wait3A_1043 = tpu.memref_slice %arg6[%dma_wait3A_1041, %dma_wait3A_1042] : memref<320x128xf32, #tpu.memory_space<vmem>> -> memref<80x128xf32, #tpu.memory_space<vmem>>
      %dma_wait3A_1044 = arith.constant 0 : i32
      %dma_wait3A_1045 = arith.constant 0 : i32
      %dma_wait3A_1046 = tpu.memref_slice %arg19[%dma_wait3A_1044, %dma_wait3A_1045] : memref<10240x128xf32, #tpu.memory_space<vmem_shared>> -> memref<10240x128xf32, #tpu.memory_space<vmem_shared>>
      tpu.wait_indirect_dma semaphore(%arg31 : memref<!tpu.dma_semaphore, #tpu.memory_space<semaphore_mem>>) src(%dma_wait3A_1043 : memref<80x128xf32, #tpu.memory_space<vmem>>) dst(%dma_wait3A_1046 : memref<10240x128xf32, #tpu.memory_space<vmem_shared>>)
      %mul3A_1047 = arith.constant 80 : i32
      %mul3A_1048 = arith.muli %add3A_1040, %mul3A_1047 : i32
      %add3A_1049 = arith.addi %mul3A_2, %mul3A_1048 : i32
      %multiple_of3A_1050 = tpu.assume_multiple %add3A_1049, 8 : i32
      %dma_wait3A_1051 = tpu.memref_slice %arg3[%multiple_of3A_1050] : memref<640000xi32, #tpu.memory_space<hbm>> -> memref<80xi32, #tpu.memory_space<hbm>>
      %dma_wait3A_1052 = tpu.memref_slice %arg3[%multiple_of3A_1050] : memref<640000xi32, #tpu.memory_space<hbm>> -> memref<80xi32, #tpu.memory_space<hbm>>
      tpu.wait_dma2 semaphore(%arg27 : memref<!tpu.dma_semaphore, #tpu.memory_space<semaphore_mem>>) src(%dma_wait3A_1052 : memref<80xi32, #tpu.memory_space<hbm>>) dst(%arg10 : memref<80xi32, #tpu.memory_space<vmem>>)
      %add3A_1053 = arith.constant 320000 : i32
      %add3A_1054 = arith.addi %add3A_1053, %mul3A_2 : i32
      %mul3A_1055 = arith.constant 80 : i32
      %mul3A_1056 = arith.muli %add3A_1040, %mul3A_1055 : i32
      %add3A_1057 = arith.addi %add3A_1054, %mul3A_1056 : i32
      %multiple_of3A_1058 = tpu.assume_multiple %add3A_1057, 8 : i32
      %dma_wait3A_1059 = tpu.memref_slice %arg3[%multiple_of3A_1058] : memref<640000xi32, #tpu.memory_space<hbm>> -> memref<80xi32, #tpu.memory_space<hbm>>
      %dma_wait3A_1060 = tpu.memref_slice %arg3[%multiple_of3A_1058] : memref<640000xi32, #tpu.memory_space<hbm>> -> memref<80xi32, #tpu.memory_space<hbm>>
      tpu.wait_dma2 semaphore(%arg27 : memref<!tpu.dma_semaphore, #tpu.memory_space<semaphore_mem>>) src(%dma_wait3A_1060 : memref<80xi32, #tpu.memory_space<hbm>>) dst(%arg14 : memref<80xi32, #tpu.memory_space<vmem>>)
      %dma_start3A_1061 = arith.constant 240 : i32
      %dma_start3A_1062 = arith.constant 0 : i32
      %dma_start3A_1063 = tpu.memref_slice %arg6[%dma_start3A_1061, %dma_start3A_1062] : memref<320x128xf32, #tpu.memory_space<vmem>> -> memref<80x128xf32, #tpu.memory_space<vmem>>
      %dma_start3A_1064 = arith.constant 0 : i32
      %dma_start3A_1065 = arith.constant 0 : i32
      %dma_start3A_1066 = tpu.memref_slice %arg2[%dma_start3A_1064, %dma_start3A_1065] : memref<10000x128xf32, #tpu.memory_space<hbm>> -> memref<10000x128xf32, #tpu.memory_space<hbm>>
      tpu.enqueue_indirect_dma source(%dma_start3A_1066 : memref<10000x128xf32, #tpu.memory_space<hbm>>) target(%dma_start3A_1063 : memref<80x128xf32, #tpu.memory_space<vmem>>) offsets(%arg10 : memref<80xi32, #tpu.memory_space<vmem>>) semaphore(%arg23 : memref<!tpu.dma_semaphore, #tpu.memory_space<semaphore_mem>>)
      %dma_wait3A_1067 = arith.constant 80 : i32
      %dma_wait3A_1068 = arith.constant 0 : i32
      %dma_wait3A_1069 = tpu.memref_slice %arg6[%dma_wait3A_1067, %dma_wait3A_1068] : memref<320x128xf32, #tpu.memory_space<vmem>> -> memref<80x128xf32, #tpu.memory_space<vmem>>
      %dma_wait3A_1070 = arith.constant 0 : i32
      %dma_wait3A_1071 = arith.constant 0 : i32
      %dma_wait3A_1072 = tpu.memref_slice %arg2[%dma_wait3A_1070, %dma_wait3A_1071] : memref<10000x128xf32, #tpu.memory_space<hbm>> -> memref<10000x128xf32, #tpu.memory_space<hbm>>
      tpu.wait_indirect_dma semaphore(%arg21 : memref<!tpu.dma_semaphore, #tpu.memory_space<semaphore_mem>>) src(%dma_wait3A_1072 : memref<10000x128xf32, #tpu.memory_space<hbm>>) dst(%dma_wait3A_1069 : memref<80x128xf32, #tpu.memory_space<vmem>>)
      %get3A_1073 = arith.constant 0 : index
      %get3A_1074 = tpu.vector_load %arg12[%get3A_1073] {strides = array<i32>} : memref<80xi32, #tpu.memory_space<vmem>>, vector<16xi32>,
      %get3A_1075 = vector.shape_cast %get3A_1074 : vector<16xi32> to vector<16xi32>
      %swap3A_1076 = arith.constant 0 : index
      %swap3A_1077 = tpu.vector_load %arg16[%swap3A_1076] {strides = array<i32>} : memref<80xi32, #tpu.memory_space<vmem>>, vector<16xi32>,
      %swap3A_1078 = vector.shape_cast %swap3A_1077 : vector<16xi32> to vector<16xi32>
      %swap3A_1079 = vector.shape_cast %get3A_1075 : vector<16xi32> to vector<16xi32>
      tpu.vector_store %arg16[%swap3A_1076], %swap3A_1079 {strides = array<i32>} : memref<80xi32, #tpu.memory_space<vmem>>, vector<16xi32>,
      %get3A_1080 = arith.constant 16 : index
      %get3A_1081 = tpu.vector_load %arg12[%get3A_1080] {strides = array<i32>} : memref<80xi32, #tpu.memory_space<vmem>>, vector<16xi32>,
      %get3A_1082 = vector.shape_cast %get3A_1081 : vector<16xi32> to vector<16xi32>
      %swap3A_1083 = arith.constant 16 : index
      %swap3A_1084 = tpu.vector_load %arg16[%swap3A_1083] {strides = array<i32>} : memref<80xi32, #tpu.memory_space<vmem>>, vector<16xi32>,
      %swap3A_1085 = vector.shape_cast %swap3A_1084 : vector<16xi32> to vector<16xi32>
      %swap3A_1086 = vector.shape_cast %get3A_1082 : vector<16xi32> to vector<16xi32>
      tpu.vector_store %arg16[%swap3A_1083], %swap3A_1086 {strides = array<i32>} : memref<80xi32, #tpu.memory_space<vmem>>, vector<16xi32>,
      %get3A_1087 = arith.constant 32 : index
      %get3A_1088 = tpu.vector_load %arg12[%get3A_1087] {strides = array<i32>} : memref<80xi32, #tpu.memory_space<vmem>>, vector<16xi32>,
      %get3A_1089 = vector.shape_cast %get3A_1088 : vector<16xi32> to vector<16xi32>
      %swap3A_1090 = arith.constant 32 : index
      %swap3A_1091 = tpu.vector_load %arg16[%swap3A_1090] {strides = array<i32>} : memref<80xi32, #tpu.memory_space<vmem>>, vector<16xi32>,
      %swap3A_1092 = vector.shape_cast %swap3A_1091 : vector<16xi32> to vector<16xi32>
      %swap3A_1093 = vector.shape_cast %get3A_1089 : vector<16xi32> to vector<16xi32>
      tpu.vector_store %arg16[%swap3A_1090], %swap3A_1093 {strides = array<i32>} : memref<80xi32, #tpu.memory_space<vmem>>, vector<16xi32>,
      %get3A_1094 = arith.constant 48 : index
      %get3A_1095 = tpu.vector_load %arg12[%get3A_1094] {strides = array<i32>} : memref<80xi32, #tpu.memory_space<vmem>>, vector<16xi32>,
      %get3A_1096 = vector.shape_cast %get3A_1095 : vector<16xi32> to vector<16xi32>
      %swap3A_1097 = arith.constant 48 : index
      %swap3A_1098 = tpu.vector_load %arg16[%swap3A_1097] {strides = array<i32>} : memref<80xi32, #tpu.memory_space<vmem>>, vector<16xi32>,
      %swap3A_1099 = vector.shape_cast %swap3A_1098 : vector<16xi32> to vector<16xi32>
      %swap3A_1100 = vector.shape_cast %get3A_1096 : vector<16xi32> to vector<16xi32>
      tpu.vector_store %arg16[%swap3A_1097], %swap3A_1100 {strides = array<i32>} : memref<80xi32, #tpu.memory_space<vmem>>, vector<16xi32>,
      %get3A_1101 = arith.constant 64 : index
      %get3A_1102 = tpu.vector_load %arg12[%get3A_1101] {strides = array<i32>} : memref<80xi32, #tpu.memory_space<vmem>>, vector<16xi32>,
      %get3A_1103 = vector.shape_cast %get3A_1102 : vector<16xi32> to vector<16xi32>
      %swap3A_1104 = arith.constant 64 : index
      %swap3A_1105 = tpu.vector_load %arg16[%swap3A_1104] {strides = array<i32>} : memref<80xi32, #tpu.memory_space<vmem>>, vector<16xi32>,
      %swap3A_1106 = vector.shape_cast %swap3A_1105 : vector<16xi32> to vector<16xi32>
      %swap3A_1107 = vector.shape_cast %get3A_1103 : vector<16xi32> to vector<16xi32>
      tpu.vector_store %arg16[%swap3A_1104], %swap3A_1107 {strides = array<i32>} : memref<80xi32, #tpu.memory_space<vmem>>, vector<16xi32>,
      %dma_start3A_1108 = arith.constant 80 : i32
      %dma_start3A_1109 = arith.constant 0 : i32
      %dma_start3A_1110 = tpu.memref_slice %arg6[%dma_start3A_1108, %dma_start3A_1109] : memref<320x128xf32, #tpu.memory_space<vmem>> -> memref<80x128xf32, #tpu.memory_space<vmem>>
      %dma_start3A_1111 = arith.constant 0 : i32
      %dma_start3A_1112 = arith.constant 0 : i32
      %dma_start3A_1113 = tpu.memref_slice %arg19[%dma_start3A_1111, %dma_start3A_1112] : memref<10240x128xf32, #tpu.memory_space<vmem_shared>> -> memref<10240x128xf32, #tpu.memory_space<vmem_shared>>
      tpu.enqueue_indirect_dma source(%dma_start3A_1110 : memref<80x128xf32, #tpu.memory_space<vmem>>) target(%dma_start3A_1113 : memref<10240x128xf32, #tpu.memory_space<vmem_shared>>) offsets(%arg16 : memref<80xi32, #tpu.memory_space<vmem>>) semaphore(%arg29 : memref<!tpu.dma_semaphore, #tpu.memory_space<semaphore_mem>>) {add = true}
      %add3A_1114 = arith.constant 2 : i32
      %add3A_1115 = arith.addi %add3A_1040, %add3A_1114 : i32
      %mul3A_1116 = arith.constant 80 : i32
      %mul3A_1117 = arith.muli %add3A_1115, %mul3A_1116 : i32
      %add3A_1118 = arith.addi %mul3A_2, %mul3A_1117 : i32
      %multiple_of3A_1119 = tpu.assume_multiple %add3A_1118, 8 : i32
      %dma_start3A_1120 = tpu.memref_slice %arg3[%multiple_of3A_1119] : memref<640000xi32, #tpu.memory_space<hbm>> -> memref<80xi32, #tpu.memory_space<hbm>>
      %dma_start3A_1121 = tpu.memref_slice %arg3[%multiple_of3A_1119] : memref<640000xi32, #tpu.memory_space<hbm>> -> memref<80xi32, #tpu.memory_space<hbm>>
      tpu.enqueue_dma source(%dma_start3A_1121 : memref<80xi32, #tpu.memory_space<hbm>>) target(%arg8 : memref<80xi32, #tpu.memory_space<vmem>>) target_semaphore(%arg25 : memref<!tpu.dma_semaphore, #tpu.memory_space<semaphore_mem>>)
      %add3A_1122 = arith.constant 320000 : i32
      %add3A_1123 = arith.addi %add3A_1122, %mul3A_2 : i32
      %mul3A_1124 = arith.constant 80 : i32
      %mul3A_1125 = arith.muli %add3A_1115, %mul3A_1124 : i32
      %add3A_1126 = arith.addi %add3A_1123, %mul3A_1125 : i32
      %multiple_of3A_1127 = tpu.assume_multiple %add3A_1126, 8 : i32
      %dma_start3A_1128 = tpu.memref_slice %arg3[%multiple_of3A_1127] : memref<640000xi32, #tpu.memory_space<hbm>> -> memref<80xi32, #tpu.memory_space<hbm>>
      %dma_start3A_1129 = tpu.memref_slice %arg3[%multiple_of3A_1127] : memref<640000xi32, #tpu.memory_space<hbm>> -> memref<80xi32, #tpu.memory_space<hbm>>
      tpu.enqueue_dma source(%dma_start3A_1129 : memref<80xi32, #tpu.memory_space<hbm>>) target(%arg12 : memref<80xi32, #tpu.memory_space<vmem>>) target_semaphore(%arg25 : memref<!tpu.dma_semaphore, #tpu.memory_space<semaphore_mem>>)
    }
    %scan3A_246 = arith.constant 29 : i32
    %dma_wait3A_247 = arith.constant 0 : i32
    %dma_wait3A_248 = arith.constant 0 : i32
    %dma_wait3A_249 = tpu.memref_slice %arg6[%dma_wait3A_247, %dma_wait3A_248] : memref<320x128xf32, #tpu.memory_space<vmem>> -> memref<80x128xf32, #tpu.memory_space<vmem>>
    %dma_wait3A_250 = arith.constant 0 : i32
    %dma_wait3A_251 = arith.constant 0 : i32
    %dma_wait3A_252 = tpu.memref_slice %arg19[%dma_wait3A_250, %dma_wait3A_251] : memref<10240x128xf32, #tpu.memory_space<vmem_shared>> -> memref<10240x128xf32, #tpu.memory_space<vmem_shared>>
    tpu.wait_indirect_dma semaphore(%arg28 : memref<!tpu.dma_semaphore, #tpu.memory_space<semaphore_mem>>) src(%dma_wait3A_249 : memref<80x128xf32, #tpu.memory_space<vmem>>) dst(%dma_wait3A_252 : memref<10240x128xf32, #tpu.memory_space<vmem_shared>>)
    %add3A_253 = arith.constant 9600 : i32
    %add3A_254 = arith.addi %mul3A_2, %add3A_253 : i32
    %multiple_of3A_255 = tpu.assume_multiple %add3A_254, 8 : i32
    %dma_wait3A_256 = tpu.memref_slice %arg3[%multiple_of3A_255] : memref<640000xi32, #tpu.memory_space<hbm>> -> memref<80xi32, #tpu.memory_space<hbm>>
    %dma_wait3A_257 = tpu.memref_slice %arg3[%multiple_of3A_255] : memref<640000xi32, #tpu.memory_space<hbm>> -> memref<80xi32, #tpu.memory_space<hbm>>
    tpu.wait_dma2 semaphore(%arg24 : memref<!tpu.dma_semaphore, #tpu.memory_space<semaphore_mem>>) src(%dma_wait3A_257 : memref<80xi32, #tpu.memory_space<hbm>>) dst(%arg7 : memref<80xi32, #tpu.memory_space<vmem>>)
    %add3A_258 = arith.constant 320000 : i32
    %add3A_259 = arith.addi %add3A_258, %mul3A_2 : i32
    %add3A_260 = arith.constant 9600 : i32
    %add3A_261 = arith.addi %add3A_259, %add3A_260 : i32
    %multiple_of3A_262 = tpu.assume_multiple %add3A_261, 8 : i32
    %dma_wait3A_263 = tpu.memref_slice %arg3[%multiple_of3A_262] : memref<640000xi32, #tpu.memory_space<hbm>> -> memref<80xi32, #tpu.memory_space<hbm>>
    %dma_wait3A_264 = tpu.memref_slice %arg3[%multiple_of3A_262] : memref<640000xi32, #tpu.memory_space<hbm>> -> memref<80xi32, #tpu.memory_space<hbm>>
    tpu.wait_dma2 semaphore(%arg24 : memref<!tpu.dma_semaphore, #tpu.memory_space<semaphore_mem>>) src(%dma_wait3A_264 : memref<80xi32, #tpu.memory_space<hbm>>) dst(%arg11 : memref<80xi32, #tpu.memory_space<vmem>>)
    %dma_start3A_265 = arith.constant 0 : i32
    %dma_start3A_266 = arith.constant 0 : i32
    %dma_start3A_267 = tpu.memref_slice %arg6[%dma_start3A_265, %dma_start3A_266] : memref<320x128xf32, #tpu.memory_space<vmem>> -> memref<80x128xf32, #tpu.memory_space<vmem>>
    %dma_start3A_268 = arith.constant 0 : i32
    %dma_start3A_269 = arith.constant 0 : i32
    %dma_start3A_270 = tpu.memref_slice %arg2[%dma_start3A_268, %dma_start3A_269] : memref<10000x128xf32, #tpu.memory_space<hbm>> -> memref<10000x128xf32, #tpu.memory_space<hbm>>
    tpu.enqueue_indirect_dma source(%dma_start3A_270 : memref<10000x128xf32, #tpu.memory_space<hbm>>) target(%dma_start3A_267 : memref<80x128xf32, #tpu.memory_space<vmem>>) offsets(%arg7 : memref<80xi32, #tpu.memory_space<vmem>>) semaphore(%arg20 : memref<!tpu.dma_semaphore, #tpu.memory_space<semaphore_mem>>)
    %dma_wait3A_271 = arith.constant 160 : i32
    %dma_wait3A_272 = arith.constant 0 : i32
    %dma_wait3A_273 = tpu.memref_slice %arg6[%dma_wait3A_271, %dma_wait3A_272] : memref<320x128xf32, #tpu.memory_space<vmem>> -> memref<80x128xf32, #tpu.memory_space<vmem>>
    %dma_wait3A_274 = arith.constant 0 : i32
    %dma_wait3A_275 = arith.constant 0 : i32
    %dma_wait3A_276 = tpu.memref_slice %arg2[%dma_wait3A_274, %dma_wait3A_275] : memref<10000x128xf32, #tpu.memory_space<hbm>> -> memref<10000x128xf32, #tpu.memory_space<hbm>>
    tpu.wait_indirect_dma semaphore(%arg22 : memref<!tpu.dma_semaphore, #tpu.memory_space<semaphore_mem>>) src(%dma_wait3A_276 : memref<10000x128xf32, #tpu.memory_space<hbm>>) dst(%dma_wait3A_273 : memref<80x128xf32, #tpu.memory_space<vmem>>)
    %get3A_277 = arith.constant 0 : index
    %get3A_278 = tpu.vector_load %arg13[%get3A_277] {strides = array<i32>} : memref<80xi32, #tpu.memory_space<vmem>>, vector<16xi32>,
    %get3A_279 = vector.shape_cast %get3A_278 : vector<16xi32> to vector<16xi32>
    %swap3A_280 = arith.constant 0 : index
    %swap3A_281 = tpu.vector_load %arg17[%swap3A_280] {strides = array<i32>} : memref<80xi32, #tpu.memory_space<vmem>>, vector<16xi32>,
    %swap3A_282 = vector.shape_cast %swap3A_281 : vector<16xi32> to vector<16xi32>
    %swap3A_283 = vector.shape_cast %get3A_279 : vector<16xi32> to vector<16xi32>
    tpu.vector_store %arg17[%swap3A_280], %swap3A_283 {strides = array<i32>} : memref<80xi32, #tpu.memory_space<vmem>>, vector<16xi32>,
    %get3A_284 = arith.constant 16 : index
    %get3A_285 = tpu.vector_load %arg13[%get3A_284] {strides = array<i32>} : memref<80xi32, #tpu.memory_space<vmem>>, vector<16xi32>,
    %get3A_286 = vector.shape_cast %get3A_285 : vector<16xi32> to vector<16xi32>
    %swap3A_287 = arith.constant 16 : index
    %swap3A_288 = tpu.vector_load %arg17[%swap3A_287] {strides = array<i32>} : memref<80xi32, #tpu.memory_space<vmem>>, vector<16xi32>,
    %swap3A_289 = vector.shape_cast %swap3A_288 : vector<16xi32> to vector<16xi32>
    %swap3A_290 = vector.shape_cast %get3A_286 : vector<16xi32> to vector<16xi32>
    tpu.vector_store %arg17[%swap3A_287], %swap3A_290 {strides = array<i32>} : memref<80xi32, #tpu.memory_space<vmem>>, vector<16xi32>,
    %get3A_291 = arith.constant 32 : index
    %get3A_292 = tpu.vector_load %arg13[%get3A_291] {strides = array<i32>} : memref<80xi32, #tpu.memory_space<vmem>>, vector<16xi32>,
    %get3A_293 = vector.shape_cast %get3A_292 : vector<16xi32> to vector<16xi32>
    %swap3A_294 = arith.constant 32 : index
    %swap3A_295 = tpu.vector_load %arg17[%swap3A_294] {strides = array<i32>} : memref<80xi32, #tpu.memory_space<vmem>>, vector<16xi32>,
    %swap3A_296 = vector.shape_cast %swap3A_295 : vector<16xi32> to vector<16xi32>
    %swap3A_297 = vector.shape_cast %get3A_293 : vector<16xi32> to vector<16xi32>
    tpu.vector_store %arg17[%swap3A_294], %swap3A_297 {strides = array<i32>} : memref<80xi32, #tpu.memory_space<vmem>>, vector<16xi32>,
    %get3A_298 = arith.constant 48 : index
    %get3A_299 = tpu.vector_load %arg13[%get3A_298] {strides = array<i32>} : memref<80xi32, #tpu.memory_space<vmem>>, vector<16xi32>,
    %get3A_300 = vector.shape_cast %get3A_299 : vector<16xi32> to vector<16xi32>
    %swap3A_301 = arith.constant 48 : index
    %swap3A_302 = tpu.vector_load %arg17[%swap3A_301] {strides = array<i32>} : memref<80xi32, #tpu.memory_space<vmem>>, vector<16xi32>,
    %swap3A_303 = vector.shape_cast %swap3A_302 : vector<16xi32> to vector<16xi32>
    %swap3A_304 = vector.shape_cast %get3A_300 : vector<16xi32> to vector<16xi32>
    tpu.vector_store %arg17[%swap3A_301], %swap3A_304 {strides = array<i32>} : memref<80xi32, #tpu.memory_space<vmem>>, vector<16xi32>,
    %get3A_305 = arith.constant 64 : index
    %get3A_306 = tpu.vector_load %arg13[%get3A_305] {strides = array<i32>} : memref<80xi32, #tpu.memory_space<vmem>>, vector<16xi32>,
    %get3A_307 = vector.shape_cast %get3A_306 : vector<16xi32> to vector<16xi32>
    %swap3A_308 = arith.constant 64 : index
    %swap3A_309 = tpu.vector_load %arg17[%swap3A_308] {strides = array<i32>} : memref<80xi32, #tpu.memory_space<vmem>>, vector<16xi32>,
    %swap3A_310 = vector.shape_cast %swap3A_309 : vector<16xi32> to vector<16xi32>
    %swap3A_311 = vector.shape_cast %get3A_307 : vector<16xi32> to vector<16xi32>
    tpu.vector_store %arg17[%swap3A_308], %swap3A_311 {strides = array<i32>} : memref<80xi32, #tpu.memory_space<vmem>>, vector<16xi32>,
    %dma_start3A_312 = arith.constant 160 : i32
    %dma_start3A_313 = arith.constant 0 : i32
    %dma_start3A_314 = tpu.memref_slice %arg6[%dma_start3A_312, %dma_start3A_313] : memref<320x128xf32, #tpu.memory_space<vmem>> -> memref<80x128xf32, #tpu.memory_space<vmem>>
    %dma_start3A_315 = arith.constant 0 : i32
    %dma_start3A_316 = arith.constant 0 : i32
    %dma_start3A_317 = tpu.memref_slice %arg19[%dma_start3A_315, %dma_start3A_316] : memref<10240x128xf32, #tpu.memory_space<vmem_shared>> -> memref<10240x128xf32, #tpu.memory_space<vmem_shared>>
    tpu.enqueue_indirect_dma source(%dma_start3A_314 : memref<80x128xf32, #tpu.memory_space<vmem>>) target(%dma_start3A_317 : memref<10240x128xf32, #tpu.memory_space<vmem_shared>>) offsets(%arg17 : memref<80xi32, #tpu.memory_space<vmem>>) semaphore(%arg30 : memref<!tpu.dma_semaphore, #tpu.memory_space<semaphore_mem>>) {add = true}
    %add3A_318 = arith.constant 9760 : i32
    %add3A_319 = arith.addi %mul3A_2, %add3A_318 : i32
    %multiple_of3A_320 = tpu.assume_multiple %add3A_319, 8 : i32
    %dma_start3A_321 = tpu.memref_slice %arg3[%multiple_of3A_320] : memref<640000xi32, #tpu.memory_space<hbm>> -> memref<80xi32, #tpu.memory_space<hbm>>
    %dma_start3A_322 = tpu.memref_slice %arg3[%multiple_of3A_320] : memref<640000xi32, #tpu.memory_space<hbm>> -> memref<80xi32, #tpu.memory_space<hbm>>
    tpu.enqueue_dma source(%dma_start3A_322 : memref<80xi32, #tpu.memory_space<hbm>>) target(%arg9 : memref<80xi32, #tpu.memory_space<vmem>>) target_semaphore(%arg26 : memref<!tpu.dma_semaphore, #tpu.memory_space<semaphore_mem>>)
    %add3A_323 = arith.constant 320000 : i32
    %add3A_324 = arith.addi %add3A_323, %mul3A_2 : i32
    %add3A_325 = arith.constant 9760 : i32
    %add3A_326 = arith.addi %add3A_324, %add3A_325 : i32
    %multiple_of3A_327 = tpu.assume_multiple %add3A_326, 8 : i32
    %dma_start3A_328 = tpu.memref_slice %arg3[%multiple_of3A_327] : memref<640000xi32, #tpu.memory_space<hbm>> -> memref<80xi32, #tpu.memory_space<hbm>>
    %dma_start3A_329 = tpu.memref_slice %arg3[%multiple_of3A_327] : memref<640000xi32, #tpu.memory_space<hbm>> -> memref<80xi32, #tpu.memory_space<hbm>>
    tpu.enqueue_dma source(%dma_start3A_329 : memref<80xi32, #tpu.memory_space<hbm>>) target(%arg13 : memref<80xi32, #tpu.memory_space<vmem>>) target_semaphore(%arg26 : memref<!tpu.dma_semaphore, #tpu.memory_space<semaphore_mem>>)
    %dma_wait3A_330 = arith.constant 80 : i32
    %dma_wait3A_331 = arith.constant 0 : i32
    %dma_wait3A_332 = tpu.memref_slice %arg6[%dma_wait3A_330, %dma_wait3A_331] : memref<320x128xf32, #tpu.memory_space<vmem>> -> memref<80x128xf32, #tpu.memory_space<vmem>>
    %dma_wait3A_333 = arith.constant 0 : i32
    %dma_wait3A_334 = arith.constant 0 : i32
    %dma_wait3A_335 = tpu.memref_slice %arg19[%dma_wait3A_333, %dma_wait3A_334] : memref<10240x128xf32, #tpu.memory_space<vmem_shared>> -> memref<10240x128xf32, #tpu.memory_space<vmem_shared>>
    tpu.wait_indirect_dma semaphore(%arg29 : memref<!tpu.dma_semaphore, #tpu.memory_space<semaphore_mem>>) src(%dma_wait3A_332 : memref<80x128xf32, #tpu.memory_space<vmem>>) dst(%dma_wait3A_335 : memref<10240x128xf32, #tpu.memory_space<vmem_shared>>)
    %add3A_336 = arith.constant 9680 : i32
    %add3A_337 = arith.addi %mul3A_2, %add3A_336 : i32
    %multiple_of3A_338 = tpu.assume_multiple %add3A_337, 8 : i32
    %dma_wait3A_339 = tpu.memref_slice %arg3[%multiple_of3A_338] : memref<640000xi32, #tpu.memory_space<hbm>> -> memref<80xi32, #tpu.memory_space<hbm>>
    %dma_wait3A_340 = tpu.memref_slice %arg3[%multiple_of3A_338] : memref<640000xi32, #tpu.memory_space<hbm>> -> memref<80xi32, #tpu.memory_space<hbm>>
    tpu.wait_dma2 semaphore(%arg25 : memref<!tpu.dma_semaphore, #tpu.memory_space<semaphore_mem>>) src(%dma_wait3A_340 : memref<80xi32, #tpu.memory_space<hbm>>) dst(%arg8 : memref<80xi32, #tpu.memory_space<vmem>>)
    %add3A_341 = arith.constant 320000 : i32
    %add3A_342 = arith.addi %add3A_341, %mul3A_2 : i32
    %add3A_343 = arith.constant 9680 : i32
    %add3A_344 = arith.addi %add3A_342, %add3A_343 : i32
    %multiple_of3A_345 = tpu.assume_multiple %add3A_344, 8 : i32
    %dma_wait3A_346 = tpu.memref_slice %arg3[%multiple_of3A_345] : memref<640000xi32, #tpu.memory_space<hbm>> -> memref<80xi32, #tpu.memory_space<hbm>>
    %dma_wait3A_347 = tpu.memref_slice %arg3[%multiple_of3A_345] : memref<640000xi32, #tpu.memory_space<hbm>> -> memref<80xi32, #tpu.memory_space<hbm>>
    tpu.wait_dma2 semaphore(%arg25 : memref<!tpu.dma_semaphore, #tpu.memory_space<semaphore_mem>>) src(%dma_wait3A_347 : memref<80xi32, #tpu.memory_space<hbm>>) dst(%arg12 : memref<80xi32, #tpu.memory_space<vmem>>)
    %dma_start3A_348 = arith.constant 80 : i32
    %dma_start3A_349 = arith.constant 0 : i32
    %dma_start3A_350 = tpu.memref_slice %arg6[%dma_start3A_348, %dma_start3A_349] : memref<320x128xf32, #tpu.memory_space<vmem>> -> memref<80x128xf32, #tpu.memory_space<vmem>>
    %dma_start3A_351 = arith.constant 0 : i32
    %dma_start3A_352 = arith.constant 0 : i32
    %dma_start3A_353 = tpu.memref_slice %arg2[%dma_start3A_351, %dma_start3A_352] : memref<10000x128xf32, #tpu.memory_space<hbm>> -> memref<10000x128xf32, #tpu.memory_space<hbm>>
    tpu.enqueue_indirect_dma source(%dma_start3A_353 : memref<10000x128xf32, #tpu.memory_space<hbm>>) target(%dma_start3A_350 : memref<80x128xf32, #tpu.memory_space<vmem>>) offsets(%arg8 : memref<80xi32, #tpu.memory_space<vmem>>) semaphore(%arg21 : memref<!tpu.dma_semaphore, #tpu.memory_space<semaphore_mem>>)
    %dma_wait3A_354 = arith.constant 240 : i32
    %dma_wait3A_355 = arith.constant 0 : i32
    %dma_wait3A_356 = tpu.memref_slice %arg6[%dma_wait3A_354, %dma_wait3A_355] : memref<320x128xf32, #tpu.memory_space<vmem>> -> memref<80x128xf32, #tpu.memory_space<vmem>>
    %dma_wait3A_357 = arith.constant 0 : i32
    %dma_wait3A_358 = arith.constant 0 : i32
    %dma_wait3A_359 = tpu.memref_slice %arg2[%dma_wait3A_357, %dma_wait3A_358] : memref<10000x128xf32, #tpu.memory_space<hbm>> -> memref<10000x128xf32, #tpu.memory_space<hbm>>
    tpu.wait_indirect_dma semaphore(%arg23 : memref<!tpu.dma_semaphore, #tpu.memory_space<semaphore_mem>>) src(%dma_wait3A_359 : memref<10000x128xf32, #tpu.memory_space<hbm>>) dst(%dma_wait3A_356 : memref<80x128xf32, #tpu.memory_space<vmem>>)
    %get3A_360 = arith.constant 0 : index
    %get3A_361 = tpu.vector_load %arg14[%get3A_360] {strides = array<i32>} : memref<80xi32, #tpu.memory_space<vmem>>, vector<16xi32>,
    %get3A_362 = vector.shape_cast %get3A_361 : vector<16xi32> to vector<16xi32>
    %swap3A_363 = arith.constant 0 : index
    %swap3A_364 = tpu.vector_load %arg18[%swap3A_363] {strides = array<i32>} : memref<80xi32, #tpu.memory_space<vmem>>, vector<16xi32>,
    %swap3A_365 = vector.shape_cast %swap3A_364 : vector<16xi32> to vector<16xi32>
    %swap3A_366 = vector.shape_cast %get3A_362 : vector<16xi32> to vector<16xi32>
    tpu.vector_store %arg18[%swap3A_363], %swap3A_366 {strides = array<i32>} : memref<80xi32, #tpu.memory_space<vmem>>, vector<16xi32>,
    %get3A_367 = arith.constant 16 : index
    %get3A_368 = tpu.vector_load %arg14[%get3A_367] {strides = array<i32>} : memref<80xi32, #tpu.memory_space<vmem>>, vector<16xi32>,
    %get3A_369 = vector.shape_cast %get3A_368 : vector<16xi32> to vector<16xi32>
    %swap3A_370 = arith.constant 16 : index
    %swap3A_371 = tpu.vector_load %arg18[%swap3A_370] {strides = array<i32>} : memref<80xi32, #tpu.memory_space<vmem>>, vector<16xi32>,
    %swap3A_372 = vector.shape_cast %swap3A_371 : vector<16xi32> to vector<16xi32>
    %swap3A_373 = vector.shape_cast %get3A_369 : vector<16xi32> to vector<16xi32>
    tpu.vector_store %arg18[%swap3A_370], %swap3A_373 {strides = array<i32>} : memref<80xi32, #tpu.memory_space<vmem>>, vector<16xi32>,
    %get3A_374 = arith.constant 32 : index
    %get3A_375 = tpu.vector_load %arg14[%get3A_374] {strides = array<i32>} : memref<80xi32, #tpu.memory_space<vmem>>, vector<16xi32>,
    %get3A_376 = vector.shape_cast %get3A_375 : vector<16xi32> to vector<16xi32>
    %swap3A_377 = arith.constant 32 : index
    %swap3A_378 = tpu.vector_load %arg18[%swap3A_377] {strides = array<i32>} : memref<80xi32, #tpu.memory_space<vmem>>, vector<16xi32>,
    %swap3A_379 = vector.shape_cast %swap3A_378 : vector<16xi32> to vector<16xi32>
    %swap3A_380 = vector.shape_cast %get3A_376 : vector<16xi32> to vector<16xi32>
    tpu.vector_store %arg18[%swap3A_377], %swap3A_380 {strides = array<i32>} : memref<80xi32, #tpu.memory_space<vmem>>, vector<16xi32>,
    %get3A_381 = arith.constant 48 : index
    %get3A_382 = tpu.vector_load %arg14[%get3A_381] {strides = array<i32>} : memref<80xi32, #tpu.memory_space<vmem>>, vector<16xi32>,
    %get3A_383 = vector.shape_cast %get3A_382 : vector<16xi32> to vector<16xi32>
    %swap3A_384 = arith.constant 48 : index
    %swap3A_385 = tpu.vector_load %arg18[%swap3A_384] {strides = array<i32>} : memref<80xi32, #tpu.memory_space<vmem>>, vector<16xi32>,
    %swap3A_386 = vector.shape_cast %swap3A_385 : vector<16xi32> to vector<16xi32>
    %swap3A_387 = vector.shape_cast %get3A_383 : vector<16xi32> to vector<16xi32>
    tpu.vector_store %arg18[%swap3A_384], %swap3A_387 {strides = array<i32>} : memref<80xi32, #tpu.memory_space<vmem>>, vector<16xi32>,
    %get3A_388 = arith.constant 64 : index
    %get3A_389 = tpu.vector_load %arg14[%get3A_388] {strides = array<i32>} : memref<80xi32, #tpu.memory_space<vmem>>, vector<16xi32>,
    %get3A_390 = vector.shape_cast %get3A_389 : vector<16xi32> to vector<16xi32>
    %swap3A_391 = arith.constant 64 : index
    %swap3A_392 = tpu.vector_load %arg18[%swap3A_391] {strides = array<i32>} : memref<80xi32, #tpu.memory_space<vmem>>, vector<16xi32>,
    %swap3A_393 = vector.shape_cast %swap3A_392 : vector<16xi32> to vector<16xi32>
    %swap3A_394 = vector.shape_cast %get3A_390 : vector<16xi32> to vector<16xi32>
    tpu.vector_store %arg18[%swap3A_391], %swap3A_394 {strides = array<i32>} : memref<80xi32, #tpu.memory_space<vmem>>, vector<16xi32>,
    %dma_start3A_395 = arith.constant 240 : i32
    %dma_start3A_396 = arith.constant 0 : i32
    %dma_start3A_397 = tpu.memref_slice %arg6[%dma_start3A_395, %dma_start3A_396] : memref<320x128xf32, #tpu.memory_space<vmem>> -> memref<80x128xf32, #tpu.memory_space<vmem>>
    %dma_start3A_398 = arith.constant 0 : i32
    %dma_start3A_399 = arith.constant 0 : i32
    %dma_start3A_400 = tpu.memref_slice %arg19[%dma_start3A_398, %dma_start3A_399] : memref<10240x128xf32, #tpu.memory_space<vmem_shared>> -> memref<10240x128xf32, #tpu.memory_space<vmem_shared>>
    tpu.enqueue_indirect_dma source(%dma_start3A_397 : memref<80x128xf32, #tpu.memory_space<vmem>>) target(%dma_start3A_400 : memref<10240x128xf32, #tpu.memory_space<vmem_shared>>) offsets(%arg18 : memref<80xi32, #tpu.memory_space<vmem>>) semaphore(%arg31 : memref<!tpu.dma_semaphore, #tpu.memory_space<semaphore_mem>>) {add = true}
    %add3A_401 = arith.constant 9840 : i32
    %add3A_402 = arith.addi %mul3A_2, %add3A_401 : i32
    %multiple_of3A_403 = tpu.assume_multiple %add3A_402, 8 : i32
    %dma_start3A_404 = tpu.memref_slice %arg3[%multiple_of3A_403] : memref<640000xi32, #tpu.memory_space<hbm>> -> memref<80xi32, #tpu.memory_space<hbm>>
    %dma_start3A_405 = tpu.memref_slice %arg3[%multiple_of3A_403] : memref<640000xi32, #tpu.memory_space<hbm>> -> memref<80xi32, #tpu.memory_space<hbm>>
    tpu.enqueue_dma source(%dma_start3A_405 : memref<80xi32, #tpu.memory_space<hbm>>) target(%arg10 : memref<80xi32, #tpu.memory_space<vmem>>) target_semaphore(%arg27 : memref<!tpu.dma_semaphore, #tpu.memory_space<semaphore_mem>>)
    %add3A_406 = arith.constant 320000 : i32
    %add3A_407 = arith.addi %add3A_406, %mul3A_2 : i32
    %add3A_408 = arith.constant 9840 : i32
    %add3A_409 = arith.addi %add3A_407, %add3A_408 : i32
    %multiple_of3A_410 = tpu.assume_multiple %add3A_409, 8 : i32
    %dma_start3A_411 = tpu.memref_slice %arg3[%multiple_of3A_410] : memref<640000xi32, #tpu.memory_space<hbm>> -> memref<80xi32, #tpu.memory_space<hbm>>
    %dma_start3A_412 = tpu.memref_slice %arg3[%multiple_of3A_410] : memref<640000xi32, #tpu.memory_space<hbm>> -> memref<80xi32, #tpu.memory_space<hbm>>
    tpu.enqueue_dma source(%dma_start3A_412 : memref<80xi32, #tpu.memory_space<hbm>>) target(%arg14 : memref<80xi32, #tpu.memory_space<vmem>>) target_semaphore(%arg27 : memref<!tpu.dma_semaphore, #tpu.memory_space<semaphore_mem>>)
    %dma_wait3A_413 = arith.constant 160 : i32
    %dma_wait3A_414 = arith.constant 0 : i32
    %dma_wait3A_415 = tpu.memref_slice %arg6[%dma_wait3A_413, %dma_wait3A_414] : memref<320x128xf32, #tpu.memory_space<vmem>> -> memref<80x128xf32, #tpu.memory_space<vmem>>
    %dma_wait3A_416 = arith.constant 0 : i32
    %dma_wait3A_417 = arith.constant 0 : i32
    %dma_wait3A_418 = tpu.memref_slice %arg19[%dma_wait3A_416, %dma_wait3A_417] : memref<10240x128xf32, #tpu.memory_space<vmem_shared>> -> memref<10240x128xf32, #tpu.memory_space<vmem_shared>>
    tpu.wait_indirect_dma semaphore(%arg30 : memref<!tpu.dma_semaphore, #tpu.memory_space<semaphore_mem>>) src(%dma_wait3A_415 : memref<80x128xf32, #tpu.memory_space<vmem>>) dst(%dma_wait3A_418 : memref<10240x128xf32, #tpu.memory_space<vmem_shared>>)
    %add3A_419 = arith.constant 9760 : i32
    %add3A_420 = arith.addi %mul3A_2, %add3A_419 : i32
    %multiple_of3A_421 = tpu.assume_multiple %add3A_420, 8 : i32
    %dma_wait3A_422 = tpu.memref_slice %arg3[%multiple_of3A_421] : memref<640000xi32, #tpu.memory_space<hbm>> -> memref<80xi32, #tpu.memory_space<hbm>>
    %dma_wait3A_423 = tpu.memref_slice %arg3[%multiple_of3A_421] : memref<640000xi32, #tpu.memory_space<hbm>> -> memref<80xi32, #tpu.memory_space<hbm>>
    tpu.wait_dma2 semaphore(%arg26 : memref<!tpu.dma_semaphore, #tpu.memory_space<semaphore_mem>>) src(%dma_wait3A_423 : memref<80xi32, #tpu.memory_space<hbm>>) dst(%arg9 : memref<80xi32, #tpu.memory_space<vmem>>)
    %add3A_424 = arith.constant 320000 : i32
    %add3A_425 = arith.addi %add3A_424, %mul3A_2 : i32
    %add3A_426 = arith.constant 9760 : i32
    %add3A_427 = arith.addi %add3A_425, %add3A_426 : i32
    %multiple_of3A_428 = tpu.assume_multiple %add3A_427, 8 : i32
    %dma_wait3A_429 = tpu.memref_slice %arg3[%multiple_of3A_428] : memref<640000xi32, #tpu.memory_space<hbm>> -> memref<80xi32, #tpu.memory_space<hbm>>
    %dma_wait3A_430 = tpu.memref_slice %arg3[%multiple_of3A_428] : memref<640000xi32, #tpu.memory_space<hbm>> -> memref<80xi32, #tpu.memory_space<hbm>>
    tpu.wait_dma2 semaphore(%arg26 : memref<!tpu.dma_semaphore, #tpu.memory_space<semaphore_mem>>) src(%dma_wait3A_430 : memref<80xi32, #tpu.memory_space<hbm>>) dst(%arg13 : memref<80xi32, #tpu.memory_space<vmem>>)
    %dma_start3A_431 = arith.constant 160 : i32
    %dma_start3A_432 = arith.constant 0 : i32
    %dma_start3A_433 = tpu.memref_slice %arg6[%dma_start3A_431, %dma_start3A_432] : memref<320x128xf32, #tpu.memory_space<vmem>> -> memref<80x128xf32, #tpu.memory_space<vmem>>
    %dma_start3A_434 = arith.constant 0 : i32
    %dma_start3A_435 = arith.constant 0 : i32
    %dma_start3A_436 = tpu.memref_slice %arg2[%dma_start3A_434, %dma_start3A_435] : memref<10000x128xf32, #tpu.memory_space<hbm>> -> memref<10000x128xf32, #tpu.memory_space<hbm>>
    tpu.enqueue_indirect_dma source(%dma_start3A_436 : memref<10000x128xf32, #tpu.memory_space<hbm>>) target(%dma_start3A_433 : memref<80x128xf32, #tpu.memory_space<vmem>>) offsets(%arg9 : memref<80xi32, #tpu.memory_space<vmem>>) semaphore(%arg22 : memref<!tpu.dma_semaphore, #tpu.memory_space<semaphore_mem>>)
    %dma_wait3A_437 = arith.constant 0 : i32
    %dma_wait3A_438 = arith.constant 0 : i32
    %dma_wait3A_439 = tpu.memref_slice %arg6[%dma_wait3A_437, %dma_wait3A_438] : memref<320x128xf32, #tpu.memory_space<vmem>> -> memref<80x128xf32, #tpu.memory_space<vmem>>
    %dma_wait3A_440 = arith.constant 0 : i32
    %dma_wait3A_441 = arith.constant 0 : i32
    %dma_wait3A_442 = tpu.memref_slice %arg2[%dma_wait3A_440, %dma_wait3A_441] : memref<10000x128xf32, #tpu.memory_space<hbm>> -> memref<10000x128xf32, #tpu.memory_space<hbm>>
    tpu.wait_indirect_dma semaphore(%arg20 : memref<!tpu.dma_semaphore, #tpu.memory_space<semaphore_mem>>) src(%dma_wait3A_442 : memref<10000x128xf32, #tpu.memory_space<hbm>>) dst(%dma_wait3A_439 : memref<80x128xf32, #tpu.memory_space<vmem>>)
    %get3A_443 = arith.constant 0 : index
    %get3A_444 = tpu.vector_load %arg11[%get3A_443] {strides = array<i32>} : memref<80xi32, #tpu.memory_space<vmem>>, vector<16xi32>,
    %get3A_445 = vector.shape_cast %get3A_444 : vector<16xi32> to vector<16xi32>
    %swap3A_446 = arith.constant 0 : index
    %swap3A_447 = tpu.vector_load %arg15[%swap3A_446] {strides = array<i32>} : memref<80xi32, #tpu.memory_space<vmem>>, vector<16xi32>,
    %swap3A_448 = vector.shape_cast %swap3A_447 : vector<16xi32> to vector<16xi32>
    %swap3A_449 = vector.shape_cast %get3A_445 : vector<16xi32> to vector<16xi32>
    tpu.vector_store %arg15[%swap3A_446], %swap3A_449 {strides = array<i32>} : memref<80xi32, #tpu.memory_space<vmem>>, vector<16xi32>,
    %get3A_450 = arith.constant 16 : index
    %get3A_451 = tpu.vector_load %arg11[%get3A_450] {strides = array<i32>} : memref<80xi32, #tpu.memory_space<vmem>>, vector<16xi32>,
    %get3A_452 = vector.shape_cast %get3A_451 : vector<16xi32> to vector<16xi32>
    %swap3A_453 = arith.constant 16 : index
    %swap3A_454 = tpu.vector_load %arg15[%swap3A_453] {strides = array<i32>} : memref<80xi32, #tpu.memory_space<vmem>>, vector<16xi32>,
    %swap3A_455 = vector.shape_cast %swap3A_454 : vector<16xi32> to vector<16xi32>
    %swap3A_456 = vector.shape_cast %get3A_452 : vector<16xi32> to vector<16xi32>
    tpu.vector_store %arg15[%swap3A_453], %swap3A_456 {strides = array<i32>} : memref<80xi32, #tpu.memory_space<vmem>>, vector<16xi32>,
    %get3A_457 = arith.constant 32 : index
    %get3A_458 = tpu.vector_load %arg11[%get3A_457] {strides = array<i32>} : memref<80xi32, #tpu.memory_space<vmem>>, vector<16xi32>,
    %get3A_459 = vector.shape_cast %get3A_458 : vector<16xi32> to vector<16xi32>
    %swap3A_460 = arith.constant 32 : index
    %swap3A_461 = tpu.vector_load %arg15[%swap3A_460] {strides = array<i32>} : memref<80xi32, #tpu.memory_space<vmem>>, vector<16xi32>,
    %swap3A_462 = vector.shape_cast %swap3A_461 : vector<16xi32> to vector<16xi32>
    %swap3A_463 = vector.shape_cast %get3A_459 : vector<16xi32> to vector<16xi32>
    tpu.vector_store %arg15[%swap3A_460], %swap3A_463 {strides = array<i32>} : memref<80xi32, #tpu.memory_space<vmem>>, vector<16xi32>,
    %get3A_464 = arith.constant 48 : index
    %get3A_465 = tpu.vector_load %arg11[%get3A_464] {strides = array<i32>} : memref<80xi32, #tpu.memory_space<vmem>>, vector<16xi32>,
    %get3A_466 = vector.shape_cast %get3A_465 : vector<16xi32> to vector<16xi32>
    %swap3A_467 = arith.constant 48 : index
    %swap3A_468 = tpu.vector_load %arg15[%swap3A_467] {strides = array<i32>} : memref<80xi32, #tpu.memory_space<vmem>>, vector<16xi32>,
    %swap3A_469 = vector.shape_cast %swap3A_468 : vector<16xi32> to vector<16xi32>
    %swap3A_470 = vector.shape_cast %get3A_466 : vector<16xi32> to vector<16xi32>
    tpu.vector_store %arg15[%swap3A_467], %swap3A_470 {strides = array<i32>} : memref<80xi32, #tpu.memory_space<vmem>>, vector<16xi32>,
    %get3A_471 = arith.constant 64 : index
    %get3A_472 = tpu.vector_load %arg11[%get3A_471] {strides = array<i32>} : memref<80xi32, #tpu.memory_space<vmem>>, vector<16xi32>,
    %get3A_473 = vector.shape_cast %get3A_472 : vector<16xi32> to vector<16xi32>
    %swap3A_474 = arith.constant 64 : index
    %swap3A_475 = tpu.vector_load %arg15[%swap3A_474] {strides = array<i32>} : memref<80xi32, #tpu.memory_space<vmem>>, vector<16xi32>,
    %swap3A_476 = vector.shape_cast %swap3A_475 : vector<16xi32> to vector<16xi32>
    %swap3A_477 = vector.shape_cast %get3A_473 : vector<16xi32> to vector<16xi32>
    tpu.vector_store %arg15[%swap3A_474], %swap3A_477 {strides = array<i32>} : memref<80xi32, #tpu.memory_space<vmem>>, vector<16xi32>,
    %dma_start3A_478 = arith.constant 0 : i32
    %dma_start3A_479 = arith.constant 0 : i32
    %dma_start3A_480 = tpu.memref_slice %arg6[%dma_start3A_478, %dma_start3A_479] : memref<320x128xf32, #tpu.memory_space<vmem>> -> memref<80x128xf32, #tpu.memory_space<vmem>>
    %dma_start3A_481 = arith.constant 0 : i32
    %dma_start3A_482 = arith.constant 0 : i32
    %dma_start3A_483 = tpu.memref_slice %arg19[%dma_start3A_481, %dma_start3A_482] : memref<10240x128xf32, #tpu.memory_space<vmem_shared>> -> memref<10240x128xf32, #tpu.memory_space<vmem_shared>>
    tpu.enqueue_indirect_dma source(%dma_start3A_480 : memref<80x128xf32, #tpu.memory_space<vmem>>) target(%dma_start3A_483 : memref<10240x128xf32, #tpu.memory_space<vmem_shared>>) offsets(%arg15 : memref<80xi32, #tpu.memory_space<vmem>>) semaphore(%arg28 : memref<!tpu.dma_semaphore, #tpu.memory_space<semaphore_mem>>) {add = true}
    %add3A_484 = arith.constant 9920 : i32
    %add3A_485 = arith.addi %mul3A_2, %add3A_484 : i32
    %multiple_of3A_486 = tpu.assume_multiple %add3A_485, 8 : i32
    %dma_start3A_487 = tpu.memref_slice %arg3[%multiple_of3A_486] : memref<640000xi32, #tpu.memory_space<hbm>> -> memref<80xi32, #tpu.memory_space<hbm>>
    %dma_start3A_488 = tpu.memref_slice %arg3[%multiple_of3A_486] : memref<640000xi32, #tpu.memory_space<hbm>> -> memref<80xi32, #tpu.memory_space<hbm>>
    tpu.enqueue_dma source(%dma_start3A_488 : memref<80xi32, #tpu.memory_space<hbm>>) target(%arg7 : memref<80xi32, #tpu.memory_space<vmem>>) target_semaphore(%arg24 : memref<!tpu.dma_semaphore, #tpu.memory_space<semaphore_mem>>)
    %add3A_489 = arith.constant 320000 : i32
    %add3A_490 = arith.addi %add3A_489, %mul3A_2 : i32
    %add3A_491 = arith.constant 9920 : i32
    %add3A_492 = arith.addi %add3A_490, %add3A_491 : i32
    %multiple_of3A_493 = tpu.assume_multiple %add3A_492, 8 : i32
    %dma_start3A_494 = tpu.memref_slice %arg3[%multiple_of3A_493] : memref<640000xi32, #tpu.memory_space<hbm>> -> memref<80xi32, #tpu.memory_space<hbm>>
    %dma_start3A_495 = tpu.memref_slice %arg3[%multiple_of3A_493] : memref<640000xi32, #tpu.memory_space<hbm>> -> memref<80xi32, #tpu.memory_space<hbm>>
    tpu.enqueue_dma source(%dma_start3A_495 : memref<80xi32, #tpu.memory_space<hbm>>) target(%arg11 : memref<80xi32, #tpu.memory_space<vmem>>) target_semaphore(%arg24 : memref<!tpu.dma_semaphore, #tpu.memory_space<semaphore_mem>>)
    %dma_wait3A_496 = arith.constant 240 : i32
    %dma_wait3A_497 = arith.constant 0 : i32
    %dma_wait3A_498 = tpu.memref_slice %arg6[%dma_wait3A_496, %dma_wait3A_497] : memref<320x128xf32, #tpu.memory_space<vmem>> -> memref<80x128xf32, #tpu.memory_space<vmem>>
    %dma_wait3A_499 = arith.constant 0 : i32
    %dma_wait3A_500 = arith.constant 0 : i32
    %dma_wait3A_501 = tpu.memref_slice %arg19[%dma_wait3A_499, %dma_wait3A_500] : memref<10240x128xf32, #tpu.memory_space<vmem_shared>> -> memref<10240x128xf32, #tpu.memory_space<vmem_shared>>
    tpu.wait_indirect_dma semaphore(%arg31 : memref<!tpu.dma_semaphore, #tpu.memory_space<semaphore_mem>>) src(%dma_wait3A_498 : memref<80x128xf32, #tpu.memory_space<vmem>>) dst(%dma_wait3A_501 : memref<10240x128xf32, #tpu.memory_space<vmem_shared>>)
    %add3A_502 = arith.constant 9840 : i32
    %add3A_503 = arith.addi %mul3A_2, %add3A_502 : i32
    %multiple_of3A_504 = tpu.assume_multiple %add3A_503, 8 : i32
    %dma_wait3A_505 = tpu.memref_slice %arg3[%multiple_of3A_504] : memref<640000xi32, #tpu.memory_space<hbm>> -> memref<80xi32, #tpu.memory_space<hbm>>
    %dma_wait3A_506 = tpu.memref_slice %arg3[%multiple_of3A_504] : memref<640000xi32, #tpu.memory_space<hbm>> -> memref<80xi32, #tpu.memory_space<hbm>>
    tpu.wait_dma2 semaphore(%arg27 : memref<!tpu.dma_semaphore, #tpu.memory_space<semaphore_mem>>) src(%dma_wait3A_506 : memref<80xi32, #tpu.memory_space<hbm>>) dst(%arg10 : memref<80xi32, #tpu.memory_space<vmem>>)
    %add3A_507 = arith.constant 320000 : i32
    %add3A_508 = arith.addi %add3A_507, %mul3A_2 : i32
    %add3A_509 = arith.constant 9840 : i32
    %add3A_510 = arith.addi %add3A_508, %add3A_509 : i32
    %multiple_of3A_511 = tpu.assume_multiple %add3A_510, 8 : i32
    %dma_wait3A_512 = tpu.memref_slice %arg3[%multiple_of3A_511] : memref<640000xi32, #tpu.memory_space<hbm>> -> memref<80xi32, #tpu.memory_space<hbm>>
    %dma_wait3A_513 = tpu.memref_slice %arg3[%multiple_of3A_511] : memref<640000xi32, #tpu.memory_space<hbm>> -> memref<80xi32, #tpu.memory_space<hbm>>
    tpu.wait_dma2 semaphore(%arg27 : memref<!tpu.dma_semaphore, #tpu.memory_space<semaphore_mem>>) src(%dma_wait3A_513 : memref<80xi32, #tpu.memory_space<hbm>>) dst(%arg14 : memref<80xi32, #tpu.memory_space<vmem>>)
    %dma_start3A_514 = arith.constant 240 : i32
    %dma_start3A_515 = arith.constant 0 : i32
    %dma_start3A_516 = tpu.memref_slice %arg6[%dma_start3A_514, %dma_start3A_515] : memref<320x128xf32, #tpu.memory_space<vmem>> -> memref<80x128xf32, #tpu.memory_space<vmem>>
    %dma_start3A_517 = arith.constant 0 : i32
    %dma_start3A_518 = arith.constant 0 : i32
    %dma_start3A_519 = tpu.memref_slice %arg2[%dma_start3A_517, %dma_start3A_518] : memref<10000x128xf32, #tpu.memory_space<hbm>> -> memref<10000x128xf32, #tpu.memory_space<hbm>>
    tpu.enqueue_indirect_dma source(%dma_start3A_519 : memref<10000x128xf32, #tpu.memory_space<hbm>>) target(%dma_start3A_516 : memref<80x128xf32, #tpu.memory_space<vmem>>) offsets(%arg10 : memref<80xi32, #tpu.memory_space<vmem>>) semaphore(%arg23 : memref<!tpu.dma_semaphore, #tpu.memory_space<semaphore_mem>>)
    %dma_wait3A_520 = arith.constant 80 : i32
    %dma_wait3A_521 = arith.constant 0 : i32
    %dma_wait3A_522 = tpu.memref_slice %arg6[%dma_wait3A_520, %dma_wait3A_521] : memref<320x128xf32, #tpu.memory_space<vmem>> -> memref<80x128xf32, #tpu.memory_space<vmem>>
    %dma_wait3A_523 = arith.constant 0 : i32
    %dma_wait3A_524 = arith.constant 0 : i32
    %dma_wait3A_525 = tpu.memref_slice %arg2[%dma_wait3A_523, %dma_wait3A_524] : memref<10000x128xf32, #tpu.memory_space<hbm>> -> memref<10000x128xf32, #tpu.memory_space<hbm>>
    tpu.wait_indirect_dma semaphore(%arg21 : memref<!tpu.dma_semaphore, #tpu.memory_space<semaphore_mem>>) src(%dma_wait3A_525 : memref<10000x128xf32, #tpu.memory_space<hbm>>) dst(%dma_wait3A_522 : memref<80x128xf32, #tpu.memory_space<vmem>>)
    %get3A_526 = arith.constant 0 : index
    %get3A_527 = tpu.vector_load %arg12[%get3A_526] {strides = array<i32>} : memref<80xi32, #tpu.memory_space<vmem>>, vector<16xi32>,
    %get3A_528 = vector.shape_cast %get3A_527 : vector<16xi32> to vector<16xi32>
    %swap3A_529 = arith.constant 0 : index
    %swap3A_530 = tpu.vector_load %arg16[%swap3A_529] {strides = array<i32>} : memref<80xi32, #tpu.memory_space<vmem>>, vector<16xi32>,
    %swap3A_531 = vector.shape_cast %swap3A_530 : vector<16xi32> to vector<16xi32>
    %swap3A_532 = vector.shape_cast %get3A_528 : vector<16xi32> to vector<16xi32>
    tpu.vector_store %arg16[%swap3A_529], %swap3A_532 {strides = array<i32>} : memref<80xi32, #tpu.memory_space<vmem>>, vector<16xi32>,
    %get3A_533 = arith.constant 16 : index
    %get3A_534 = tpu.vector_load %arg12[%get3A_533] {strides = array<i32>} : memref<80xi32, #tpu.memory_space<vmem>>, vector<16xi32>,
    %get3A_535 = vector.shape_cast %get3A_534 : vector<16xi32> to vector<16xi32>
    %swap3A_536 = arith.constant 16 : index
    %swap3A_537 = tpu.vector_load %arg16[%swap3A_536] {strides = array<i32>} : memref<80xi32, #tpu.memory_space<vmem>>, vector<16xi32>,
    %swap3A_538 = vector.shape_cast %swap3A_537 : vector<16xi32> to vector<16xi32>
    %swap3A_539 = vector.shape_cast %get3A_535 : vector<16xi32> to vector<16xi32>
    tpu.vector_store %arg16[%swap3A_536], %swap3A_539 {strides = array<i32>} : memref<80xi32, #tpu.memory_space<vmem>>, vector<16xi32>,
    %get3A_540 = arith.constant 32 : index
    %get3A_541 = tpu.vector_load %arg12[%get3A_540] {strides = array<i32>} : memref<80xi32, #tpu.memory_space<vmem>>, vector<16xi32>,
    %get3A_542 = vector.shape_cast %get3A_541 : vector<16xi32> to vector<16xi32>
    %swap3A_543 = arith.constant 32 : index
    %swap3A_544 = tpu.vector_load %arg16[%swap3A_543] {strides = array<i32>} : memref<80xi32, #tpu.memory_space<vmem>>, vector<16xi32>,
    %swap3A_545 = vector.shape_cast %swap3A_544 : vector<16xi32> to vector<16xi32>
    %swap3A_546 = vector.shape_cast %get3A_542 : vector<16xi32> to vector<16xi32>
    tpu.vector_store %arg16[%swap3A_543], %swap3A_546 {strides = array<i32>} : memref<80xi32, #tpu.memory_space<vmem>>, vector<16xi32>,
    %get3A_547 = arith.constant 48 : index
    %get3A_548 = tpu.vector_load %arg12[%get3A_547] {strides = array<i32>} : memref<80xi32, #tpu.memory_space<vmem>>, vector<16xi32>,
    %get3A_549 = vector.shape_cast %get3A_548 : vector<16xi32> to vector<16xi32>
    %swap3A_550 = arith.constant 48 : index
    %swap3A_551 = tpu.vector_load %arg16[%swap3A_550] {strides = array<i32>} : memref<80xi32, #tpu.memory_space<vmem>>, vector<16xi32>,
    %swap3A_552 = vector.shape_cast %swap3A_551 : vector<16xi32> to vector<16xi32>
    %swap3A_553 = vector.shape_cast %get3A_549 : vector<16xi32> to vector<16xi32>
    tpu.vector_store %arg16[%swap3A_550], %swap3A_553 {strides = array<i32>} : memref<80xi32, #tpu.memory_space<vmem>>, vector<16xi32>,
    %get3A_554 = arith.constant 64 : index
    %get3A_555 = tpu.vector_load %arg12[%get3A_554] {strides = array<i32>} : memref<80xi32, #tpu.memory_space<vmem>>, vector<16xi32>,
    %get3A_556 = vector.shape_cast %get3A_555 : vector<16xi32> to vector<16xi32>
    %swap3A_557 = arith.constant 64 : index
    %swap3A_558 = tpu.vector_load %arg16[%swap3A_557] {strides = array<i32>} : memref<80xi32, #tpu.memory_space<vmem>>, vector<16xi32>,
    %swap3A_559 = vector.shape_cast %swap3A_558 : vector<16xi32> to vector<16xi32>
    %swap3A_560 = vector.shape_cast %get3A_556 : vector<16xi32> to vector<16xi32>
    tpu.vector_store %arg16[%swap3A_557], %swap3A_560 {strides = array<i32>} : memref<80xi32, #tpu.memory_space<vmem>>, vector<16xi32>,
    %dma_start3A_561 = arith.constant 80 : i32
    %dma_start3A_562 = arith.constant 0 : i32
    %dma_start3A_563 = tpu.memref_slice %arg6[%dma_start3A_561, %dma_start3A_562] : memref<320x128xf32, #tpu.memory_space<vmem>> -> memref<80x128xf32, #tpu.memory_space<vmem>>
    %dma_start3A_564 = arith.constant 0 : i32
    %dma_start3A_565 = arith.constant 0 : i32
    %dma_start3A_566 = tpu.memref_slice %arg19[%dma_start3A_564, %dma_start3A_565] : memref<10240x128xf32, #tpu.memory_space<vmem_shared>> -> memref<10240x128xf32, #tpu.memory_space<vmem_shared>>
    tpu.enqueue_indirect_dma source(%dma_start3A_563 : memref<80x128xf32, #tpu.memory_space<vmem>>) target(%dma_start3A_566 : memref<10240x128xf32, #tpu.memory_space<vmem_shared>>) offsets(%arg16 : memref<80xi32, #tpu.memory_space<vmem>>) semaphore(%arg29 : memref<!tpu.dma_semaphore, #tpu.memory_space<semaphore_mem>>) {add = true}
    %dma_wait3A_567 = arith.constant 0 : i32
    %dma_wait3A_568 = arith.constant 0 : i32
    %dma_wait3A_569 = tpu.memref_slice %arg6[%dma_wait3A_567, %dma_wait3A_568] : memref<320x128xf32, #tpu.memory_space<vmem>> -> memref<80x128xf32, #tpu.memory_space<vmem>>
    %dma_wait3A_570 = arith.constant 0 : i32
    %dma_wait3A_571 = arith.constant 0 : i32
    %dma_wait3A_572 = tpu.memref_slice %arg19[%dma_wait3A_570, %dma_wait3A_571] : memref<10240x128xf32, #tpu.memory_space<vmem_shared>> -> memref<10240x128xf32, #tpu.memory_space<vmem_shared>>
    tpu.wait_indirect_dma semaphore(%arg28 : memref<!tpu.dma_semaphore, #tpu.memory_space<semaphore_mem>>) src(%dma_wait3A_569 : memref<80x128xf32, #tpu.memory_space<vmem>>) dst(%dma_wait3A_572 : memref<10240x128xf32, #tpu.memory_space<vmem_shared>>)
    %add3A_573 = arith.constant 9920 : i32
    %add3A_574 = arith.addi %mul3A_2, %add3A_573 : i32
    %multiple_of3A_575 = tpu.assume_multiple %add3A_574, 8 : i32
    %dma_wait3A_576 = tpu.memref_slice %arg3[%multiple_of3A_575] : memref<640000xi32, #tpu.memory_space<hbm>> -> memref<80xi32, #tpu.memory_space<hbm>>
    %dma_wait3A_577 = tpu.memref_slice %arg3[%multiple_of3A_575] : memref<640000xi32, #tpu.memory_space<hbm>> -> memref<80xi32, #tpu.memory_space<hbm>>
    tpu.wait_dma2 semaphore(%arg24 : memref<!tpu.dma_semaphore, #tpu.memory_space<semaphore_mem>>) src(%dma_wait3A_577 : memref<80xi32, #tpu.memory_space<hbm>>) dst(%arg7 : memref<80xi32, #tpu.memory_space<vmem>>)
    %add3A_578 = arith.constant 320000 : i32
    %add3A_579 = arith.addi %add3A_578, %mul3A_2 : i32
    %add3A_580 = arith.constant 9920 : i32
    %add3A_581 = arith.addi %add3A_579, %add3A_580 : i32
    %multiple_of3A_582 = tpu.assume_multiple %add3A_581, 8 : i32
    %dma_wait3A_583 = tpu.memref_slice %arg3[%multiple_of3A_582] : memref<640000xi32, #tpu.memory_space<hbm>> -> memref<80xi32, #tpu.memory_space<hbm>>
    %dma_wait3A_584 = tpu.memref_slice %arg3[%multiple_of3A_582] : memref<640000xi32, #tpu.memory_space<hbm>> -> memref<80xi32, #tpu.memory_space<hbm>>
    tpu.wait_dma2 semaphore(%arg24 : memref<!tpu.dma_semaphore, #tpu.memory_space<semaphore_mem>>) src(%dma_wait3A_584 : memref<80xi32, #tpu.memory_space<hbm>>) dst(%arg11 : memref<80xi32, #tpu.memory_space<vmem>>)
    %dma_start3A_585 = arith.constant 0 : i32
    %dma_start3A_586 = arith.constant 0 : i32
    %dma_start3A_587 = tpu.memref_slice %arg6[%dma_start3A_585, %dma_start3A_586] : memref<320x128xf32, #tpu.memory_space<vmem>> -> memref<80x128xf32, #tpu.memory_space<vmem>>
    %dma_start3A_588 = arith.constant 0 : i32
    %dma_start3A_589 = arith.constant 0 : i32
    %dma_start3A_590 = tpu.memref_slice %arg2[%dma_start3A_588, %dma_start3A_589] : memref<10000x128xf32, #tpu.memory_space<hbm>> -> memref<10000x128xf32, #tpu.memory_space<hbm>>
    tpu.enqueue_indirect_dma source(%dma_start3A_590 : memref<10000x128xf32, #tpu.memory_space<hbm>>) target(%dma_start3A_587 : memref<80x128xf32, #tpu.memory_space<vmem>>) offsets(%arg7 : memref<80xi32, #tpu.memory_space<vmem>>) semaphore(%arg20 : memref<!tpu.dma_semaphore, #tpu.memory_space<semaphore_mem>>)
    %dma_wait3A_591 = arith.constant 160 : i32
    %dma_wait3A_592 = arith.constant 0 : i32
    %dma_wait3A_593 = tpu.memref_slice %arg6[%dma_wait3A_591, %dma_wait3A_592] : memref<320x128xf32, #tpu.memory_space<vmem>> -> memref<80x128xf32, #tpu.memory_space<vmem>>
    %dma_wait3A_594 = arith.constant 0 : i32
    %dma_wait3A_595 = arith.constant 0 : i32
    %dma_wait3A_596 = tpu.memref_slice %arg2[%dma_wait3A_594, %dma_wait3A_595] : memref<10000x128xf32, #tpu.memory_space<hbm>> -> memref<10000x128xf32, #tpu.memory_space<hbm>>
    tpu.wait_indirect_dma semaphore(%arg22 : memref<!tpu.dma_semaphore, #tpu.memory_space<semaphore_mem>>) src(%dma_wait3A_596 : memref<10000x128xf32, #tpu.memory_space<hbm>>) dst(%dma_wait3A_593 : memref<80x128xf32, #tpu.memory_space<vmem>>)
    %get3A_597 = arith.constant 0 : index
    %get3A_598 = tpu.vector_load %arg13[%get3A_597] {strides = array<i32>} : memref<80xi32, #tpu.memory_space<vmem>>, vector<16xi32>,
    %get3A_599 = vector.shape_cast %get3A_598 : vector<16xi32> to vector<16xi32>
    %swap3A_600 = arith.constant 0 : index
    %swap3A_601 = tpu.vector_load %arg17[%swap3A_600] {strides = array<i32>} : memref<80xi32, #tpu.memory_space<vmem>>, vector<16xi32>,
    %swap3A_602 = vector.shape_cast %swap3A_601 : vector<16xi32> to vector<16xi32>
    %swap3A_603 = vector.shape_cast %get3A_599 : vector<16xi32> to vector<16xi32>
    tpu.vector_store %arg17[%swap3A_600], %swap3A_603 {strides = array<i32>} : memref<80xi32, #tpu.memory_space<vmem>>, vector<16xi32>,
    %get3A_604 = arith.constant 16 : index
    %get3A_605 = tpu.vector_load %arg13[%get3A_604] {strides = array<i32>} : memref<80xi32, #tpu.memory_space<vmem>>, vector<16xi32>,
    %get3A_606 = vector.shape_cast %get3A_605 : vector<16xi32> to vector<16xi32>
    %swap3A_607 = arith.constant 16 : index
    %swap3A_608 = tpu.vector_load %arg17[%swap3A_607] {strides = array<i32>} : memref<80xi32, #tpu.memory_space<vmem>>, vector<16xi32>,
    %swap3A_609 = vector.shape_cast %swap3A_608 : vector<16xi32> to vector<16xi32>
    %swap3A_610 = vector.shape_cast %get3A_606 : vector<16xi32> to vector<16xi32>
    tpu.vector_store %arg17[%swap3A_607], %swap3A_610 {strides = array<i32>} : memref<80xi32, #tpu.memory_space<vmem>>, vector<16xi32>,
    %get3A_611 = arith.constant 32 : index
    %get3A_612 = tpu.vector_load %arg13[%get3A_611] {strides = array<i32>} : memref<80xi32, #tpu.memory_space<vmem>>, vector<16xi32>,
    %get3A_613 = vector.shape_cast %get3A_612 : vector<16xi32> to vector<16xi32>
    %swap3A_614 = arith.constant 32 : index
    %swap3A_615 = tpu.vector_load %arg17[%swap3A_614] {strides = array<i32>} : memref<80xi32, #tpu.memory_space<vmem>>, vector<16xi32>,
    %swap3A_616 = vector.shape_cast %swap3A_615 : vector<16xi32> to vector<16xi32>
    %swap3A_617 = vector.shape_cast %get3A_613 : vector<16xi32> to vector<16xi32>
    tpu.vector_store %arg17[%swap3A_614], %swap3A_617 {strides = array<i32>} : memref<80xi32, #tpu.memory_space<vmem>>, vector<16xi32>,
    %get3A_618 = arith.constant 48 : index
    %get3A_619 = tpu.vector_load %arg13[%get3A_618] {strides = array<i32>} : memref<80xi32, #tpu.memory_space<vmem>>, vector<16xi32>,
    %get3A_620 = vector.shape_cast %get3A_619 : vector<16xi32> to vector<16xi32>
    %swap3A_621 = arith.constant 48 : index
    %swap3A_622 = tpu.vector_load %arg17[%swap3A_621] {strides = array<i32>} : memref<80xi32, #tpu.memory_space<vmem>>, vector<16xi32>,
    %swap3A_623 = vector.shape_cast %swap3A_622 : vector<16xi32> to vector<16xi32>
    %swap3A_624 = vector.shape_cast %get3A_620 : vector<16xi32> to vector<16xi32>
    tpu.vector_store %arg17[%swap3A_621], %swap3A_624 {strides = array<i32>} : memref<80xi32, #tpu.memory_space<vmem>>, vector<16xi32>,
    %get3A_625 = arith.constant 64 : index
    %get3A_626 = tpu.vector_load %arg13[%get3A_625] {strides = array<i32>} : memref<80xi32, #tpu.memory_space<vmem>>, vector<16xi32>,
    %get3A_627 = vector.shape_cast %get3A_626 : vector<16xi32> to vector<16xi32>
    %swap3A_628 = arith.constant 64 : index
    %swap3A_629 = tpu.vector_load %arg17[%swap3A_628] {strides = array<i32>} : memref<80xi32, #tpu.memory_space<vmem>>, vector<16xi32>,
    %swap3A_630 = vector.shape_cast %swap3A_629 : vector<16xi32> to vector<16xi32>
    %swap3A_631 = vector.shape_cast %get3A_627 : vector<16xi32> to vector<16xi32>
    tpu.vector_store %arg17[%swap3A_628], %swap3A_631 {strides = array<i32>} : memref<80xi32, #tpu.memory_space<vmem>>, vector<16xi32>,
    %dma_start3A_632 = arith.constant 160 : i32
    %dma_start3A_633 = arith.constant 0 : i32
    %dma_start3A_634 = tpu.memref_slice %arg6[%dma_start3A_632, %dma_start3A_633] : memref<320x128xf32, #tpu.memory_space<vmem>> -> memref<80x128xf32, #tpu.memory_space<vmem>>
    %dma_start3A_635 = arith.constant 0 : i32
    %dma_start3A_636 = arith.constant 0 : i32
    %dma_start3A_637 = tpu.memref_slice %arg19[%dma_start3A_635, %dma_start3A_636] : memref<10240x128xf32, #tpu.memory_space<vmem_shared>> -> memref<10240x128xf32, #tpu.memory_space<vmem_shared>>
    tpu.enqueue_indirect_dma source(%dma_start3A_634 : memref<80x128xf32, #tpu.memory_space<vmem>>) target(%dma_start3A_637 : memref<10240x128xf32, #tpu.memory_space<vmem_shared>>) offsets(%arg17 : memref<80xi32, #tpu.memory_space<vmem>>) semaphore(%arg30 : memref<!tpu.dma_semaphore, #tpu.memory_space<semaphore_mem>>) {add = true}
    %dma_wait3A_638 = arith.constant 240 : i32
    %dma_wait3A_639 = arith.constant 0 : i32
    %dma_wait3A_640 = tpu.memref_slice %arg6[%dma_wait3A_638, %dma_wait3A_639] : memref<320x128xf32, #tpu.memory_space<vmem>> -> memref<80x128xf32, #tpu.memory_space<vmem>>
    %dma_wait3A_641 = arith.constant 0 : i32
    %dma_wait3A_642 = arith.constant 0 : i32
    %dma_wait3A_643 = tpu.memref_slice %arg2[%dma_wait3A_641, %dma_wait3A_642] : memref<10000x128xf32, #tpu.memory_space<hbm>> -> memref<10000x128xf32, #tpu.memory_space<hbm>>
    tpu.wait_indirect_dma semaphore(%arg23 : memref<!tpu.dma_semaphore, #tpu.memory_space<semaphore_mem>>) src(%dma_wait3A_643 : memref<10000x128xf32, #tpu.memory_space<hbm>>) dst(%dma_wait3A_640 : memref<80x128xf32, #tpu.memory_space<vmem>>)
    %get3A_644 = arith.constant 0 : index
    %get3A_645 = tpu.vector_load %arg14[%get3A_644] {strides = array<i32>} : memref<80xi32, #tpu.memory_space<vmem>>, vector<16xi32>,
    %get3A_646 = vector.shape_cast %get3A_645 : vector<16xi32> to vector<16xi32>
    %swap3A_647 = arith.constant 0 : index
    %swap3A_648 = tpu.vector_load %arg18[%swap3A_647] {strides = array<i32>} : memref<80xi32, #tpu.memory_space<vmem>>, vector<16xi32>,
    %swap3A_649 = vector.shape_cast %swap3A_648 : vector<16xi32> to vector<16xi32>
    %swap3A_650 = vector.shape_cast %get3A_646 : vector<16xi32> to vector<16xi32>
    tpu.vector_store %arg18[%swap3A_647], %swap3A_650 {strides = array<i32>} : memref<80xi32, #tpu.memory_space<vmem>>, vector<16xi32>,
    %get3A_651 = arith.constant 16 : index
    %get3A_652 = tpu.vector_load %arg14[%get3A_651] {strides = array<i32>} : memref<80xi32, #tpu.memory_space<vmem>>, vector<16xi32>,
    %get3A_653 = vector.shape_cast %get3A_652 : vector<16xi32> to vector<16xi32>
    %swap3A_654 = arith.constant 16 : index
    %swap3A_655 = tpu.vector_load %arg18[%swap3A_654] {strides = array<i32>} : memref<80xi32, #tpu.memory_space<vmem>>, vector<16xi32>,
    %swap3A_656 = vector.shape_cast %swap3A_655 : vector<16xi32> to vector<16xi32>
    %swap3A_657 = vector.shape_cast %get3A_653 : vector<16xi32> to vector<16xi32>
    tpu.vector_store %arg18[%swap3A_654], %swap3A_657 {strides = array<i32>} : memref<80xi32, #tpu.memory_space<vmem>>, vector<16xi32>,
    %get3A_658 = arith.constant 32 : index
    %get3A_659 = tpu.vector_load %arg14[%get3A_658] {strides = array<i32>} : memref<80xi32, #tpu.memory_space<vmem>>, vector<16xi32>,
    %get3A_660 = vector.shape_cast %get3A_659 : vector<16xi32> to vector<16xi32>
    %swap3A_661 = arith.constant 32 : index
    %swap3A_662 = tpu.vector_load %arg18[%swap3A_661] {strides = array<i32>} : memref<80xi32, #tpu.memory_space<vmem>>, vector<16xi32>,
    %swap3A_663 = vector.shape_cast %swap3A_662 : vector<16xi32> to vector<16xi32>
    %swap3A_664 = vector.shape_cast %get3A_660 : vector<16xi32> to vector<16xi32>
    tpu.vector_store %arg18[%swap3A_661], %swap3A_664 {strides = array<i32>} : memref<80xi32, #tpu.memory_space<vmem>>, vector<16xi32>,
    %get3A_665 = arith.constant 48 : index
    %get3A_666 = tpu.vector_load %arg14[%get3A_665] {strides = array<i32>} : memref<80xi32, #tpu.memory_space<vmem>>, vector<16xi32>,
    %get3A_667 = vector.shape_cast %get3A_666 : vector<16xi32> to vector<16xi32>
    %swap3A_668 = arith.constant 48 : index
    %swap3A_669 = tpu.vector_load %arg18[%swap3A_668] {strides = array<i32>} : memref<80xi32, #tpu.memory_space<vmem>>, vector<16xi32>,
    %swap3A_670 = vector.shape_cast %swap3A_669 : vector<16xi32> to vector<16xi32>
    %swap3A_671 = vector.shape_cast %get3A_667 : vector<16xi32> to vector<16xi32>
    tpu.vector_store %arg18[%swap3A_668], %swap3A_671 {strides = array<i32>} : memref<80xi32, #tpu.memory_space<vmem>>, vector<16xi32>,
    %get3A_672 = arith.constant 64 : index
    %get3A_673 = tpu.vector_load %arg14[%get3A_672] {strides = array<i32>} : memref<80xi32, #tpu.memory_space<vmem>>, vector<16xi32>,
    %get3A_674 = vector.shape_cast %get3A_673 : vector<16xi32> to vector<16xi32>
    %swap3A_675 = arith.constant 64 : index
    %swap3A_676 = tpu.vector_load %arg18[%swap3A_675] {strides = array<i32>} : memref<80xi32, #tpu.memory_space<vmem>>, vector<16xi32>,
    %swap3A_677 = vector.shape_cast %swap3A_676 : vector<16xi32> to vector<16xi32>
    %swap3A_678 = vector.shape_cast %get3A_674 : vector<16xi32> to vector<16xi32>
    tpu.vector_store %arg18[%swap3A_675], %swap3A_678 {strides = array<i32>} : memref<80xi32, #tpu.memory_space<vmem>>, vector<16xi32>,
    %dma_start3A_679 = arith.constant 240 : i32
    %dma_start3A_680 = arith.constant 0 : i32
    %dma_start3A_681 = tpu.memref_slice %arg6[%dma_start3A_679, %dma_start3A_680] : memref<320x128xf32, #tpu.memory_space<vmem>> -> memref<80x128xf32, #tpu.memory_space<vmem>>
    %dma_start3A_682 = arith.constant 0 : i32
    %dma_start3A_683 = arith.constant 0 : i32
    %dma_start3A_684 = tpu.memref_slice %arg19[%dma_start3A_682, %dma_start3A_683] : memref<10240x128xf32, #tpu.memory_space<vmem_shared>> -> memref<10240x128xf32, #tpu.memory_space<vmem_shared>>
    tpu.enqueue_indirect_dma source(%dma_start3A_681 : memref<80x128xf32, #tpu.memory_space<vmem>>) target(%dma_start3A_684 : memref<10240x128xf32, #tpu.memory_space<vmem_shared>>) offsets(%arg18 : memref<80xi32, #tpu.memory_space<vmem>>) semaphore(%arg31 : memref<!tpu.dma_semaphore, #tpu.memory_space<semaphore_mem>>) {add = true}
    %dma_wait3A_685 = arith.constant 0 : i32
    %dma_wait3A_686 = arith.constant 0 : i32
    %dma_wait3A_687 = tpu.memref_slice %arg6[%dma_wait3A_685, %dma_wait3A_686] : memref<320x128xf32, #tpu.memory_space<vmem>> -> memref<80x128xf32, #tpu.memory_space<vmem>>
    %dma_wait3A_688 = arith.constant 0 : i32
    %dma_wait3A_689 = arith.constant 0 : i32
    %dma_wait3A_690 = tpu.memref_slice %arg2[%dma_wait3A_688, %dma_wait3A_689] : memref<10000x128xf32, #tpu.memory_space<hbm>> -> memref<10000x128xf32, #tpu.memory_space<hbm>>
    tpu.wait_indirect_dma semaphore(%arg20 : memref<!tpu.dma_semaphore, #tpu.memory_space<semaphore_mem>>) src(%dma_wait3A_690 : memref<10000x128xf32, #tpu.memory_space<hbm>>) dst(%dma_wait3A_687 : memref<80x128xf32, #tpu.memory_space<vmem>>)
    %get3A_691 = arith.constant 0 : index
    %get3A_692 = tpu.vector_load %arg11[%get3A_691] {strides = array<i32>} : memref<80xi32, #tpu.memory_space<vmem>>, vector<16xi32>,
    %get3A_693 = vector.shape_cast %get3A_692 : vector<16xi32> to vector<16xi32>
    %swap3A_694 = arith.constant 0 : index
    %swap3A_695 = tpu.vector_load %arg15[%swap3A_694] {strides = array<i32>} : memref<80xi32, #tpu.memory_space<vmem>>, vector<16xi32>,
    %swap3A_696 = vector.shape_cast %swap3A_695 : vector<16xi32> to vector<16xi32>
    %swap3A_697 = vector.shape_cast %get3A_693 : vector<16xi32> to vector<16xi32>
    tpu.vector_store %arg15[%swap3A_694], %swap3A_697 {strides = array<i32>} : memref<80xi32, #tpu.memory_space<vmem>>, vector<16xi32>,
    %get3A_698 = arith.constant 16 : index
    %get3A_699 = tpu.vector_load %arg11[%get3A_698] {strides = array<i32>} : memref<80xi32, #tpu.memory_space<vmem>>, vector<16xi32>,
    %get3A_700 = vector.shape_cast %get3A_699 : vector<16xi32> to vector<16xi32>
    %swap3A_701 = arith.constant 16 : index
    %swap3A_702 = tpu.vector_load %arg15[%swap3A_701] {strides = array<i32>} : memref<80xi32, #tpu.memory_space<vmem>>, vector<16xi32>,
    %swap3A_703 = vector.shape_cast %swap3A_702 : vector<16xi32> to vector<16xi32>
    %swap3A_704 = vector.shape_cast %get3A_700 : vector<16xi32> to vector<16xi32>
    tpu.vector_store %arg15[%swap3A_701], %swap3A_704 {strides = array<i32>} : memref<80xi32, #tpu.memory_space<vmem>>, vector<16xi32>,
    %get3A_705 = arith.constant 32 : index
    %get3A_706 = tpu.vector_load %arg11[%get3A_705] {strides = array<i32>} : memref<80xi32, #tpu.memory_space<vmem>>, vector<16xi32>,
    %get3A_707 = vector.shape_cast %get3A_706 : vector<16xi32> to vector<16xi32>
    %swap3A_708 = arith.constant 32 : index
    %swap3A_709 = tpu.vector_load %arg15[%swap3A_708] {strides = array<i32>} : memref<80xi32, #tpu.memory_space<vmem>>, vector<16xi32>,
    %swap3A_710 = vector.shape_cast %swap3A_709 : vector<16xi32> to vector<16xi32>
    %swap3A_711 = vector.shape_cast %get3A_707 : vector<16xi32> to vector<16xi32>
    tpu.vector_store %arg15[%swap3A_708], %swap3A_711 {strides = array<i32>} : memref<80xi32, #tpu.memory_space<vmem>>, vector<16xi32>,
    %get3A_712 = arith.constant 48 : index
    %get3A_713 = tpu.vector_load %arg11[%get3A_712] {strides = array<i32>} : memref<80xi32, #tpu.memory_space<vmem>>, vector<16xi32>,
    %get3A_714 = vector.shape_cast %get3A_713 : vector<16xi32> to vector<16xi32>
    %swap3A_715 = arith.constant 48 : index
    %swap3A_716 = tpu.vector_load %arg15[%swap3A_715] {strides = array<i32>} : memref<80xi32, #tpu.memory_space<vmem>>, vector<16xi32>,
    %swap3A_717 = vector.shape_cast %swap3A_716 : vector<16xi32> to vector<16xi32>
    %swap3A_718 = vector.shape_cast %get3A_714 : vector<16xi32> to vector<16xi32>
    tpu.vector_store %arg15[%swap3A_715], %swap3A_718 {strides = array<i32>} : memref<80xi32, #tpu.memory_space<vmem>>, vector<16xi32>,
    %get3A_719 = arith.constant 64 : index
    %get3A_720 = tpu.vector_load %arg11[%get3A_719] {strides = array<i32>} : memref<80xi32, #tpu.memory_space<vmem>>, vector<16xi32>,
    %get3A_721 = vector.shape_cast %get3A_720 : vector<16xi32> to vector<16xi32>
    %swap3A_722 = arith.constant 64 : index
    %swap3A_723 = tpu.vector_load %arg15[%swap3A_722] {strides = array<i32>} : memref<80xi32, #tpu.memory_space<vmem>>, vector<16xi32>,
    %swap3A_724 = vector.shape_cast %swap3A_723 : vector<16xi32> to vector<16xi32>
    %swap3A_725 = vector.shape_cast %get3A_721 : vector<16xi32> to vector<16xi32>
    tpu.vector_store %arg15[%swap3A_722], %swap3A_725 {strides = array<i32>} : memref<80xi32, #tpu.memory_space<vmem>>, vector<16xi32>,
    %dma_start3A_726 = arith.constant 0 : i32
    %dma_start3A_727 = arith.constant 0 : i32
    %dma_start3A_728 = tpu.memref_slice %arg6[%dma_start3A_726, %dma_start3A_727] : memref<320x128xf32, #tpu.memory_space<vmem>> -> memref<80x128xf32, #tpu.memory_space<vmem>>
    %dma_start3A_729 = arith.constant 0 : i32
    %dma_start3A_730 = arith.constant 0 : i32
    %dma_start3A_731 = tpu.memref_slice %arg19[%dma_start3A_729, %dma_start3A_730] : memref<10240x128xf32, #tpu.memory_space<vmem_shared>> -> memref<10240x128xf32, #tpu.memory_space<vmem_shared>>
    tpu.enqueue_indirect_dma source(%dma_start3A_728 : memref<80x128xf32, #tpu.memory_space<vmem>>) target(%dma_start3A_731 : memref<10240x128xf32, #tpu.memory_space<vmem_shared>>) offsets(%arg15 : memref<80xi32, #tpu.memory_space<vmem>>) semaphore(%arg28 : memref<!tpu.dma_semaphore, #tpu.memory_space<semaphore_mem>>) {add = true}
    %dma_wait3A_732 = arith.constant 80 : i32
    %dma_wait3A_733 = arith.constant 0 : i32
    %dma_wait3A_734 = tpu.memref_slice %arg6[%dma_wait3A_732, %dma_wait3A_733] : memref<320x128xf32, #tpu.memory_space<vmem>> -> memref<80x128xf32, #tpu.memory_space<vmem>>
    %dma_wait3A_735 = arith.constant 0 : i32
    %dma_wait3A_736 = arith.constant 0 : i32
    %dma_wait3A_737 = tpu.memref_slice %arg19[%dma_wait3A_735, %dma_wait3A_736] : memref<10240x128xf32, #tpu.memory_space<vmem_shared>> -> memref<10240x128xf32, #tpu.memory_space<vmem_shared>>
    tpu.wait_indirect_dma semaphore(%arg29 : memref<!tpu.dma_semaphore, #tpu.memory_space<semaphore_mem>>) src(%dma_wait3A_734 : memref<80x128xf32, #tpu.memory_space<vmem>>) dst(%dma_wait3A_737 : memref<10240x128xf32, #tpu.memory_space<vmem_shared>>)
    %dma_wait3A_738 = arith.constant 160 : i32
    %dma_wait3A_739 = arith.constant 0 : i32
    %dma_wait3A_740 = tpu.memref_slice %arg6[%dma_wait3A_738, %dma_wait3A_739] : memref<320x128xf32, #tpu.memory_space<vmem>> -> memref<80x128xf32, #tpu.memory_space<vmem>>
    %dma_wait3A_741 = arith.constant 0 : i32
    %dma_wait3A_742 = arith.constant 0 : i32
    %dma_wait3A_743 = tpu.memref_slice %arg19[%dma_wait3A_741, %dma_wait3A_742] : memref<10240x128xf32, #tpu.memory_space<vmem_shared>> -> memref<10240x128xf32, #tpu.memory_space<vmem_shared>>
    tpu.wait_indirect_dma semaphore(%arg30 : memref<!tpu.dma_semaphore, #tpu.memory_space<semaphore_mem>>) src(%dma_wait3A_740 : memref<80x128xf32, #tpu.memory_space<vmem>>) dst(%dma_wait3A_743 : memref<10240x128xf32, #tpu.memory_space<vmem_shared>>)
    %dma_wait3A_744 = arith.constant 240 : i32
    %dma_wait3A_745 = arith.constant 0 : i32
    %dma_wait3A_746 = tpu.memref_slice %arg6[%dma_wait3A_744, %dma_wait3A_745] : memref<320x128xf32, #tpu.memory_space<vmem>> -> memref<80x128xf32, #tpu.memory_space<vmem>>
    %dma_wait3A_747 = arith.constant 0 : i32
    %dma_wait3A_748 = arith.constant 0 : i32
    %dma_wait3A_749 = tpu.memref_slice %arg19[%dma_wait3A_747, %dma_wait3A_748] : memref<10240x128xf32, #tpu.memory_space<vmem_shared>> -> memref<10240x128xf32, #tpu.memory_space<vmem_shared>>
    tpu.wait_indirect_dma semaphore(%arg31 : memref<!tpu.dma_semaphore, #tpu.memory_space<semaphore_mem>>) src(%dma_wait3A_746 : memref<80x128xf32, #tpu.memory_space<vmem>>) dst(%dma_wait3A_749 : memref<10240x128xf32, #tpu.memory_space<vmem_shared>>)
    %dma_wait3A_750 = arith.constant 0 : i32
    %dma_wait3A_751 = arith.constant 0 : i32
    %dma_wait3A_752 = tpu.memref_slice %arg6[%dma_wait3A_750, %dma_wait3A_751] : memref<320x128xf32, #tpu.memory_space<vmem>> -> memref<80x128xf32, #tpu.memory_space<vmem>>
    %dma_wait3A_753 = arith.constant 0 : i32
    %dma_wait3A_754 = arith.constant 0 : i32
    %dma_wait3A_755 = tpu.memref_slice %arg19[%dma_wait3A_753, %dma_wait3A_754] : memref<10240x128xf32, #tpu.memory_space<vmem_shared>> -> memref<10240x128xf32, #tpu.memory_space<vmem_shared>>
    tpu.wait_indirect_dma semaphore(%arg28 : memref<!tpu.dma_semaphore, #tpu.memory_space<semaphore_mem>>) src(%dma_wait3A_752 : memref<80x128xf32, #tpu.memory_space<vmem>>) dst(%dma_wait3A_755 : memref<10240x128xf32, #tpu.memory_space<vmem_shared>>)
    "tpu.trace_stop"() : () -> ()
    "tpu.trace_start"() <{level = 10 : i32, message = "writeout"}> : () -> ()
    %barrier3A_756 = arith.constant 0 : index
    tpu.barrier barrier_id(%barrier3A_756)
    %mul3A_757 = arith.constant 640 : i32
    %mul3A_758 = arith.muli %arg1, %mul3A_757 : i32
    %mul3A_759 = arith.constant 640 : i32
    %mul3A_760 = arith.muli %arg1, %mul3A_759 : i32
    "tpu.region"() ({
      %run_scoped3A = tpu.sem_alloc : memref<!tpu.dma_semaphore, #tpu.memory_space<semaphore_mem>>
      %dma_start3A_761 = arith.constant 0 : i32
      %dma_start3A_762 = tpu.memref_slice %arg5[%arg0, %mul3A_760, %dma_start3A_761] : memref<2x10240x128xf32, #tpu.memory_space<hbm>> -> memref<1x640x128xf32, #tpu.memory_space<hbm>>
      %dma_start3A_763 = tpu.memref_squeeze %dma_start3A_762 : memref<1x640x128xf32, #tpu.memory_space<hbm>> -> memref<640x128xf32, #tpu.memory_space<hbm>>
      %dma_start3A_764 = arith.constant 0 : i32
      %dma_start3A_765 = tpu.memref_slice %arg19[%mul3A_758, %dma_start3A_764] : memref<10240x128xf32, #tpu.memory_space<vmem_shared>> -> memref<640x128xf32, #tpu.memory_space<vmem_shared>>
      tpu.enqueue_dma source(%dma_start3A_765 : memref<640x128xf32, #tpu.memory_space<vmem_shared>>) target(%dma_start3A_763 : memref<640x128xf32, #tpu.memory_space<hbm>>) target_semaphore(%run_scoped3A : memref<!tpu.dma_semaphore, #tpu.memory_space<semaphore_mem>>)
      %dma_wait3A_766 = arith.constant 0 : i32
      %dma_wait3A_767 = tpu.memref_slice %arg5[%arg0, %mul3A_760, %dma_wait3A_766] : memref<2x10240x128xf32, #tpu.memory_space<hbm>> -> memref<1x640x128xf32, #tpu.memory_space<hbm>>
      %dma_wait3A_768 = tpu.memref_squeeze %dma_wait3A_767 : memref<1x640x128xf32, #tpu.memory_space<hbm>> -> memref<640x128xf32, #tpu.memory_space<hbm>>
      %dma_wait3A_769 = arith.constant 0 : i32
      %dma_wait3A_770 = tpu.memref_slice %arg19[%mul3A_758, %dma_wait3A_769] : memref<10240x128xf32, #tpu.memory_space<vmem_shared>> -> memref<640x128xf32, #tpu.memory_space<vmem_shared>>
      tpu.wait_dma2 semaphore(%run_scoped3A : memref<!tpu.dma_semaphore, #tpu.memory_space<semaphore_mem>>) src(%dma_wait3A_770 : memref<640x128xf32, #tpu.memory_space<vmem_shared>>) dst(%dma_wait3A_768 : memref<640x128xf32, #tpu.memory_space<hbm>>)
      tpu.yield
    }) : () -> ()
    "tpu.trace_stop"() : () -> ()
    return
  }
}

module attributes {stable_mosaic.version = 14 : i64} {
  func.func @_tc_body(%arg0: i32, %arg1: memref<1000x128xf32, #tpu.memory_space<vmem>>, %arg2: memref<2x1000x128xf32, #tpu.memory_space<vmem>>, %arg3: memref<128x128xf32, #tpu.memory_space<vmem>>, %arg4: memref<1x128xf32, #tpu.memory_space<vmem>>, %arg5: memref<1000x128xf32, #tpu.memory_space<vmem>>) attributes {dimension_semantics = [#tpu.dimension_semantics<arbitrary>], iteration_bounds = array<i64: 10>, scalar_prefetch = 0 : i64, scratch_operands = 0 : i64, tpu.core_type = #tpu.core_type<tc>, window_params = [{transform_indices = @transform_0, window_bounds = array<i64: 1000, 128>}, {transform_indices = @transform_1, window_bounds = array<i64: 2, 1000, 128>}, {pipeline_mode = #tpu.pipeline_mode<synchronous>, transform_indices = @transform_2, window_bounds = array<i64: 128, 128>}, {pipeline_mode = #tpu.pipeline_mode<synchronous>, transform_indices = @transform_3, window_bounds = array<i64: 1, 128>}, {transform_indices = @transform_4, window_bounds = array<i64: 1000, 128>}]} {
    %get3A = arith.constant 0 : index
    %get3A_0 = arith.constant 0 : index
    %get3A_1 = vector.load %arg1[%get3A, %get3A_0] : memref<1000x128xf32, #tpu.memory_space<vmem>>, vector<1000x128xf32>
    %get3A_2 = arith.constant 0 : index
    %get3A_3 = arith.constant 0 : index
    %get3A_4 = arith.constant 0 : index
    %get3A_5 = vector.load %arg2[%get3A_2, %get3A_3, %get3A_4] : memref<2x1000x128xf32, #tpu.memory_space<vmem>>, vector<1x1000x128xf32>
    %get3A_6 = vector.shape_cast %get3A_5 : vector<1x1000x128xf32> to vector<1000x128xf32>
    %get3A_7 = arith.constant 1 : index
    %get3A_8 = arith.constant 0 : index
    %get3A_9 = arith.constant 0 : index
    %get3A_10 = vector.load %arg2[%get3A_7, %get3A_8, %get3A_9] : memref<2x1000x128xf32, #tpu.memory_space<vmem>>, vector<1x1000x128xf32>
    %get3A_11 = vector.shape_cast %get3A_10 : vector<1x1000x128xf32> to vector<1000x128xf32>
    %add3A = arith.addf %get3A_6, %get3A_11 : vector<1000x128xf32>
    %mul3A = arith.constant 3.14159274 : f32
    %mul3A_12 = vector.broadcast %mul3A : f32 to vector<1000x128xf32>
    %mul3A_13 = arith.mulf %mul3A_12, %add3A : vector<1000x128xf32>
    %add3A_14 = arith.addf %get3A_1, %mul3A_13 : vector<1000x128xf32>
    %get3A_15 = arith.constant 0 : index
    %get3A_16 = arith.constant 0 : index
    %get3A_17 = vector.load %arg3[%get3A_15, %get3A_16] : memref<128x128xf32, #tpu.memory_space<vmem>>, vector<128x128xf32>
    %dot_general3A = arith.constant dense<0.000000e+00> : vector<1000x128xf32>
    %dot_general3A_18 = tpu.matmul %add3A_14, %get3A_17, %dot_general3A {dimension_numbers = #tpu.dot_dimension_numbers<[1], [1], [0], [0], [0, 0, 1, 0], [], []>, transpose_lhs_hint = false} : vector<1000x128xf32>, vector<128x128xf32>, vector<1000x128xf32> -> vector<1000x128xf32>
    %get3A_19 = arith.constant 0 : index
    %get3A_20 = arith.constant 0 : index
    %get3A_21 = vector.load %arg4[%get3A_19, %get3A_20] : memref<1x128xf32, #tpu.memory_space<vmem>>, vector<1x128xf32>
    %add3A_22 = vector.broadcast %get3A_21 : vector<1x128xf32> to vector<1000x128xf32>
    %add3A_23 = arith.addf %dot_general3A_18, %add3A_22 : vector<1000x128xf32>
    %swap3A = arith.constant 0 : index
    %swap3A_24 = arith.constant 0 : index
    %swap3A_25 = vector.load %arg5[%swap3A, %swap3A_24] : memref<1000x128xf32, #tpu.memory_space<vmem>>, vector<1000x128xf32>
    tpu.vector_store %arg5[%swap3A, %swap3A_24], %add3A_23 {strides = array<i32>} : memref<1000x128xf32, #tpu.memory_space<vmem>>, vector<1000x128xf32>,
    return
  }
  func.func @transform_0(%arg0: i32) -> (i32, i32) {
    %c0_i32 = arith.constant 0 : i32
    %c0_i32_0 = arith.constant 0 : i32
    return %arg0, %c0_i32 : i32, i32
  }
  func.func @transform_1(%arg0: i32) -> (i32, i32, i32) {
    %c0_i32 = arith.constant 0 : i32
    %c0_i32_0 = arith.constant 0 : i32
    %c0_i32_1 = arith.constant 0 : i32
    return %c0_i32, %arg0, %c0_i32_0 : i32, i32, i32
  }
  func.func @transform_2(%arg0: i32) -> (i32, i32) {
    %c0_i32 = arith.constant 0 : i32
    %c0_i32_0 = arith.constant 0 : i32
    %c0_i32_1 = arith.constant 0 : i32
    return %c0_i32, %c0_i32_0 : i32, i32
  }
  func.func @transform_3(%arg0: i32) -> (i32, i32) {
    %c0_i32 = arith.constant 0 : i32
    %c0_i32_0 = arith.constant 0 : i32
    %c0_i32_1 = arith.constant 0 : i32
    return %c0_i32, %c0_i32_0 : i32, i32
  }
  func.func @transform_4(%arg0: i32) -> (i32, i32) {
    %c0_i32 = arith.constant 0 : i32
    %c0_i32_0 = arith.constant 0 : i32
    return %arg0, %c0_i32 : i32, i32
  }
}

</mosaic_0001>

<sc_bundles>
// kernel: kernel.4.cloned.1.call-start
scs
__scs_entry_jumppad:
0x0: {  	(pc) =	sbr.rel $0x88, $3  }
0x1: {  	(tag) =	ssettag $0x0;
	lr =	simm.s32 $0x1  }
0x2: {  	[smem:$0x3F9D] =	sst lr;
	_ =	strace $0xD0000000  }
0x3: {  	_ = 	snop  }
0x4: {  	_ = 	snop  }
0x5: {  	_ = 	snop  }
0x6: {  	_ = 	snop  }
0x7: {  	_ = 	snop  }
__scs_overlays_trampoline_lowered:
0x8: {  	[smem:$0x3FAC] =	sst s0  }
0x9: {  	[smem:$0x3FAD] =	sst s1  }
0xa: {  	[smem:$0x3FAE] =	sst s2  }
0xb: {  	[smem:$0x3FAF] =	sst s3  }
0xc: {  	[smem:$0x3FB0] =	sst s4  }
0xd: {  	[smem:$0x3FB1] =	sst s5  }
0xe: {  	[smem:$0x3FB2] =	sst s6  }
0xf: {  	[smem:$0x3FB3] =	sst s7  }
0x10: {  	[smem:$0x3FB4] =	sst s8  }
0x11: {  	[smem:$0x3FB5] =	sst s9;
	s0 =	simm.s32 @!p0 $0x0  }
0x12: {  	s1 =	sld [smem:$0x3F9B];
	s0 =	simm.s32 @p0 $0x1  }
0x13: {  	[smem:$0x3FB6] =	sst s0;
	s0 =	simm.s32 @!p1 $0x0  }
0x14: {  	s2 =	sld [smem:$0x3F9A];
	s0 =	simm.s32 @p1 $0x1  }
0x15: {  	[smem:$0x3FB7] =	sst s0;
	s0 =	simm.s32 @!p2 $0x0  }
0x16: {  	s3 =	sld [smem:$0x3FDB];
	s0 =	simm.s32 @p2 $0x1  }
0x17: {  	s4 =	simm.s32 $0x1BF5;
	[smem:$0x3FB9] =	sst s0  }
0x18: {  	s0 =	sld [smem:$0x3F9C];
	_ =	swait.ge [sflag:s4], $0x0  }
0x19: {  	s7 =	sld [smem:$0x3F9D]  }
0x1a: {  	s8 =	sadd.s32 $0xFFFFE003, lr  }
0x1b: {  	s9 =	sadd.s32 $0xFFFFFEF7, lr;
	s5 =	simm.s32 $0xFFFFFFFF;
	p2 =	slt.u32 s8, $0xFFFFF086  }
0x1c: {  	p1 =	slt.u32 s9, $0xF7A;
	s5 =	simm.s32 @!p2 $0x0  }
0x1d: {  	s5 =	simm.s32 @p1 $0x1;
	p0 =	seq.s32 s7, s2  }
0x1e: {  	s7 =	smul.u32 @!p0 $0xF7A, s2;
	p2 =	seq.s32 @!p0 s5, $0x0  }
0x1f: {  	s9 =	smul.u32 $0xF7A, s1;
	s8 =	simm.s32 @!p0 $0x1BF5;
	p2 =	por !p2, p0  }
0x20: {  	[sflag:s8] =	ssyncset.s32 @!p0 $0xFFFFF086;
	s6 =	sadd.s32 @!p0 s3, s7;
	s7 =	simm.s32 @!p0 $0x108  }
0x21: {  	s3 =	sadd.s32 s3, s9;
	s6 =	sadd.s32 @!p0 $0x88, s6;
	s7 =	simm.s32 @p2 $0x1082  }
0x22: {  	[simem:s7], [sflag:s8] =	dma.local @!p0 [hbm:s6], $0xF7A  }
0x23: {  	s9 =	sor.u32 $0xD0000000, s2;
	s6 =	simm.s32 $0x108;
	_ =	swait.ge @!p0 [sflag:s8], $0x0  }
0x24: {  	s3 =	sadd.s32 $0x88, s3;
	s6 =	simm.s32 @!p1 $0x1082;
	[sflag:s4] =	ssyncset.s32 $0xFFFFF086  }
0x25: {  	[simem:s6], [sflag:s4] =	dma.local [hbm:s3], $0xF7A  }
0x26: {  	[smem:$0x3F9D] =	sst s1;
	(tag) =	ssettag s2;
	_ =	strace s9  }
0x27: {  	s1 =	sld [smem:$0x3FAD]  }
0x28: {  	s2 =	sld [smem:$0x3FAE]  }
0x29: {  	s4 =	sld [smem:$0x3FB0]  }
0x2a: {  	p0 =	seq.s32 s5, $0x0;
	s5 =	sld [smem:$0x3FB1]  }
0x2b: {  	s6 =	sld [smem:$0x3FB2]  }
0x2c: {  	s7 =	sld [smem:$0x3FB3]  }
0x2d: {  	s3 =	simm.s32 $0x108;
	s8 =	sld [smem:$0x3FB4]  }
0x2e: {  	s3 =	simm.s32 @!p0 $0x1082;
	s9 =	sld [smem:$0x3FB5]  }
0x2f: {  	lr =	sadd.s32 s0, s3;
	s0 =	sld [smem:$0x3FAC]  }
0x30: {  	s3 =	sld [smem:$0x3FAF]  }
0x31: {  	[smem:$0x3FB8] =	sst s10  }
0x32: {  	s10 =	sld [smem:$0x3FB6];
	_ =	sdelay $0x3  }
0x33: {  	p0 =	seq.s32 s10, $0x1;
	s10 =	sld [smem:$0x3FB8];
	_ =	sdelay $0x3  }
0x34: {  	[smem:$0x3FB8] =	sst s10  }
0x35: {  	s10 =	sld [smem:$0x3FB7];
	_ =	sdelay $0x3  }
0x36: {  	p1 =	seq.s32 s10, $0x1;
	s10 =	sld [smem:$0x3FB8];
	_ =	sdelay $0x3  }
0x37: {  	[smem:$0x3FB8] =	sst s10  }
0x38: {  	s10 =	sld [smem:$0x3FB9]  }
0x39: {  	_ = 	snop;
	(pc) =	sbr.ind lr, $3  }
0x3a: {  	_ = 	snop  }
0x3b: {  	_ = 	snop  }
0x3c: {  	p2 =	seq.s32 s10, $0x1;
	s10 =	sld [smem:$0x3FB8]  }
0x3d: {  	_ =	shalt  }
0x3e: {  	_ =	shalt  }
0x3f: {  	_ =	shalt  }
0x40: {  	_ =	shalt  }
0x41: {  	_ =	shalt  }
0x42: {  	_ =	shalt  }
0x43: {  	_ =	shalt  }
0x44: {  	_ =	shalt  }
0x45: {  	_ =	shalt  }
0x46: {  	_ =	shalt  }
0x47: {  	_ =	shalt  }
0x48: {  	_ =	shalt  }
0x49: {  	_ =	shalt  }
0x4a: {  	_ =	shalt  }
0x4b: {  	_ =	shalt  }
0x4c: {  	_ =	shalt  }
0x4d: {  	_ =	shalt  }
0x4e: {  	_ =	shalt  }
0x4f: {  	_ =	shalt  }
0x50: {  	_ =	shalt  }
0x51: {  	_ =	shalt  }
0x52: {  	_ =	shalt  }
0x53: {  	_ =	shalt  }
0x54: {  	_ =	shalt  }
0x55: {  	_ =	shalt  }
0x56: {  	_ =	shalt  }
0x57: {  	_ =	shalt  }
0x58: {  	_ =	shalt  }
0x59: {  	_ =	shalt  }
0x5a: {  	_ =	shalt  }
0x5b: {  	_ =	shalt  }
0x5c: {  	_ =	shalt  }
0x5d: {  	_ =	shalt  }
0x5e: {  	_ =	shalt  }
0x5f: {  	_ =	shalt  }
0x60: {  	_ =	shalt  }
0x61: {  	_ =	shalt  }
0x62: {  	_ =	shalt  }
0x63: {  	_ =	shalt  }
0x64: {  	_ =	shalt  }
0x65: {  	_ =	shalt  }
0x66: {  	_ =	shalt  }
0x67: {  	_ =	shalt  }
0x68: {  	_ =	shalt  }
0x69: {  	_ =	shalt  }
0x6a: {  	_ =	shalt  }
0x6b: {  	_ =	shalt  }
0x6c: {  	_ =	shalt  }
0x6d: {  	_ =	shalt  }
0x6e: {  	_ =	shalt  }
0x6f: {  	_ =	shalt  }
0x70: {  	_ =	shalt  }
0x71: {  	_ =	shalt  }
0x72: {  	_ =	shalt  }
0x73: {  	_ =	shalt  }
0x74: {  	_ =	shalt  }
0x75: {  	_ =	shalt  }
0x76: {  	_ =	shalt  }
0x77: {  	_ =	shalt  }
0x78: {  	_ =	shalt  }
0x79: {  	_ =	shalt  }
0x7a: {  	_ =	shalt  }
0x7b: {  	_ =	shalt  }
0x7c: {  	_ =	shalt  }
0x7d: {  	_ =	shalt  }
0x7e: {  	_ =	shalt  }
0x7f: {  	_ =	shalt  }
0x80: {  	_ =	shalt  }
0x81: {  	_ =	shalt  }
0x82: {  	_ =	shalt  }
0x83: {  	_ =	shalt  }
0x84: {  	_ =	shalt  }
0x85: {  	_ =	shalt  }
0x86: {  	_ =	shalt  }
0x87: {  	_ =	shalt  }
.Lfunc_end0:
.L_simem_size_0:
called_computation_lowered:
.L_overlay_start_0:
0x88: {  	s2 =	sld [smem:$0x3FD9]  }
0x89: {  	s3 =	sld [smem:$0x3FFE];
	_ =	sdelay $0x1  }
0x8a: {  	s1 =	srdreg.scid  }
0x8b: {  	s0 =	sand.u32 $0x1, s1  }
0x8c: {  	s17 =	sshll.u32 s0, $0xA;
	s2 =	sadd.s32 s3, s2  }
0x8d: {  	s2 =	sadd.s32 s2, s17  }
0x8e: {  	[smem:$0x3FC4] =	sst s2  }
0x8f: {  	_ = 	snop  }
0x90: {  	s2 =	sld [smem:$0x3FC9]  }
0x91: {  	s18 =	sld [smem:$0x3FD0];
	(tm) =	ssettm $0x1  }
0x92: {  	s4 =	sld [smem:$0x3FFB];
	_ =	sdelay $0x3  }
0x93: {  	_ =	strace s4  }
0x94: {  	s4 =	sld [smem:$0x3FFC];
	_ =	sdelay $0x3  }
0x95: {  	_ =	strace s4  }
0x96: {  	s4 =	sld [smem:$0x3FFD];
	_ =	sdelay $0x3  }
0x97: {  	_ =	strace s4  }
0x98: {  	_ =	strace $0x8FFFFFFF  }
0x99: {  	s19 =	sld [smem:$0x3FDB];
	_ =	sdelay $0x1  }
0x9a: {  	s5 =	simm.s32 $_scs_section_size  }
0x9b: {  	s6 =	simm.s32 $_size__tile_overlayer_lowered;
	s7 =	simm.s32 $_tile_overlayer_lowered  }
0x9c: {  	s22 =	simm.s32 $0x1BFF;
	s21 =	sshll.u32 s7, $0x1;
	s4 =	sadd.s32 s5, s19  }
0x9d: {  	s8 =	simm.s32 $0x0;
	s20 =	sshll.u32 s6, $0x1;
	s6 =	sadd.s32 s21, s4  }
0x9e: {  	[timem:s8], [sflag:s22] =	dma.local [hbm:s6], s20  }
0x9f: {  	_ =	swait.ge [sflag:s22], s20  }
0xa0: {  	s5 =	ssub.s32 $0x0, s20;
	[sflag:s22] =	ssyncset.done $0x0  }
0xa1: {  	[sflag:s22] =	ssyncadd.s32 s5;
	_ =	sdelay $0x1  }
0xa2: {  	s23 =	simm.s32 $0x1B8B  }
0xa3: {  	_ =	swait.ge [sflag:s23], $0x1  }
0xa4: {  	[sflag:s23] =	ssyncset.done $0x0  }
0xa5: {  	s25 =	simm.s32 $0x1B8E;
	s24 =	sld [smem:$0x3FFE];
	[sflag:s23] =	ssyncadd.s32 $0xFFFFFFFF  }
0xa6: {  	s26 =	simm.s32 $execute0_lowered;
	[smem:$0x3FD2] =	sst s25  }
0xa7: {  	s6 =	sshll.u32 s26, $0x1;
	_ =	strace $0x80000046;
	[dreg:$0x1] =	wrdreg $0xFFFFFFFF  }
0xa8: {  	s28 =	simm.s32 $_size_execute0_lowered;
	s4 =	sadd.s32 s4, s6;
	[dreg:$0x0] =	wrdreg $0x0  }
0xa9: {  	s6 =	sshll.u32 s28, $0x1;
	[dreg:$0x2] =	wrdreg s4  }
0xaa: {  	[dreg:$0x3] =	wrdreg s6  }
0xab: {  	[dreg:$0x4] =	wrdreg $0xC0  }
0xac: {  	_ =	task [dreg:s8], $0x5FFFF  }
0xad: {  	[dreg:$0x1] =	wrdreg $0xFFFFFFFF  }
0xae: {  	[dreg:$0x0] =	wrdreg $0x60  }
0xaf: {  	[dreg:$0x2] =	wrdreg s2  }
0xb0: {  	[dreg:$0x3] =	wrdreg s18  }
0xb1: {  	[dreg:$0x4] =	wrdreg s24  }
0xb2: {  	[dreg:$0x5] =	wrdreg $0xA6000  }
0xb3: {  	[dreg:$0x6] =	wrdreg $0x9  }
0xb4: {  	_ =	task.clear_ibuf [dreg:s8], $0x7FFFF;
	_ =	strace $0x90000046  }
0xb5: {  	s29 =	simm.s32 $0x9;
	_ =	strace $0x8000004B  }
0xb6: {  	_ =	swait.ge [sflag:s29], $0x1  }
0xb7: {  	[sflag:s29] =	ssyncadd.s32 $0xFFFFFFFF  }
0xb8: {  	_ =	strace $0x9000004B  }
0xb9: {  	_ =	sfence  }
0xba: {  	s30 =	sld [smem:$0x0];
	_ =	sdelay $0x2  }
0xbb: {  	s31 =	sshll.u32 s1, $0xD;
	s1 =	sshrl.u32 s1, $0x2  }
0xbc: {  	s3 =	sand.u32 $0x4000, s31;
	s1 =	sadd.s32 s1, s30  }
0xbd: {  	s0 =	sor.u32 s3, s0;
	s1 =	sshll.u32 s1, $0x11  }
0xbe: {  	s0 =	sor.u32 s1, s0  }
0xbf: {  	s0 =	sadd.s32 $0x8F2B, s0  }
0xc0: {  	[sflag:s0] =	ssyncadd.remote.s32 $0x1  }
0xc1: {  	_ =	sfence.sel $0xFFFF  }
0xc2: {  	[dreg:$0x0] =	wrdreg $0xFFFFFFFF;
	(pc) =	sbr.abs _section_cstart, $3  }
0xc3: {  	[dreg:$0x1] =	wrdreg $0xFFFFFFFF  }
0xc4: {  	_ =	task.clear_ibuf [dreg:s8], $0x2FFFF;
	_ =	strace $0x9FFFFFFF  }
0xc5: {  	(tm) =	ssettm $0x7FFFFFFF  }
tec
execute0_lowered:
.L_overlay_start_1:
0x0: {  	(tag) =	ssettag $0x1  }
0x1: {  	s1 =	rddreg [dreg:$0x0]  }
0x2: {  	s0 =	rddreg [dreg:$0x1]  }
0x3: {  	s2 =	rddreg [dreg:$0x2];
	s9 =	stileid.u32  }
0x4: {  	s4 =	srdreg.scid;
	s7 =	smul.u32 $0x14000, s9  }
0x5: {  	s3 =	rddreg [dreg:$0x3];
	s5 =	sand.u32 $0x1, s4;
	s19 =	smul.u32 $0x2710, s9  }
0x6: {  	s4 =	simm.s32 $0x0;
	s12 =	sadd.s32 $0x1200, s2;
	s6 =	smul.u32 $0x140000, s5  }
0x7: {  	s8 =	sshll.u32 s5, $0x4;
	s13 =	ssub.s32 $0x2, s5;
	s5 =	smul.u32 $0x27100, s5  }
0x8: {  	s15 =	smul.u32 $0x50000, s9;
	[smem:$0x7FF] =	sst s4;
	s8 =	sor.u32 s9, s8  }
0x9: {  	_ =	strace $0x80000047;
	[dreg:$0xd] =	wrdreg s12;
	s5 =	sadd.s32 s19, s5  }
0xa: {  	s14 =	sshrl.u32 s13, $0x1;
	s6 =	sadd.s32 s7, s6;
	s30 =	sadd.s32 $0x4E4D0, s5  }
0xb: {  	s11 =	smul.u32 $0x2710, s8;
	s6 =	sshrl.u32 s6, $0x3;
	s8 =	sshrl.u32 s30, $0x3  }
0xc: {  	s2 =	sadd.s32 s6, s2;
	s6 =	ssub.s32 s13, s14;
	s9 =	sadd.s32 s8, s0  }
0xd: {  	s7 =	sshrl.u32 s11, $0x3;
	s30 =	smax.u32 s6, $0x1;
	[dreg:$0x6] =	wrdreg s9  }
0xe: {  	s10 =	sadd.s32 s0, s7;
	[smem:$0x7FC] =	sst s30  }
0xf: {  	s28 =	simm.s32 $0xA580;
	s16 =	sadd.s32 $0x9C40, s10;
	[dreg:$0xe] =	wrdreg s10  }
0x10: {  	s26 =	sadd.s32 $0x2D0, s5;
	s17 =	sadd.s32 $0xA, s10;
	[dreg:$0xf] =	wrdreg s16  }
0x11: {  	s11 =	sadd.s32 $0x280, s5;
	s18 =	sadd.s32 $0x9C4A, s10;
	[dreg:$0x10] =	wrdreg s17  }
0x12: {  	s13 =	sadd.s32 $0x4E480, s5;
	s20 =	sadd.s32 $0x14, s10;
	[dreg:$0x11] =	wrdreg s18  }
0x13: {  	s7 =	sshrl.u32 s15, $0x2;
	s21 =	sadd.s32 $0x9C54, s10;
	[dreg:$0x12] =	wrdreg s20  }
0x14: {  	s14 =	sadd.s32 $0x230, s5;
	s7 =	sadd.s32 s7, s3;
	[dreg:$0x13] =	wrdreg s21  }
0x15: {  	s12 =	sshrl.u32 s11, $0x3;
	s22 =	sadd.s32 $0x1E, s10;
	[dreg:$0x14] =	wrdreg s7  }
0x16: {  	s8 =	sshrl.u32 s13, $0x3;
	s23 =	sadd.s32 $0x9C5E, s10;
	[dreg:$0x15] =	wrdreg s22  }
0x17: {  	s11 =	simm.s32 $0xA180;
	s24 =	sadd.s32 $0x28, s10;
	[dreg:$0x16] =	wrdreg s23  }
0x18: {  	s13 =	simm.s32 $0x7;
	s25 =	sadd.s32 $0x9C68, s10;
	[dreg:$0x17] =	wrdreg s24  }
0x19: {  	s6 =	simm.s32 $0xB;
	s29 =	sadd.s32 $0x32, s10;
	[dreg:$0x18] =	wrdreg s25  }
0x1a: {  	s31 =	sadd.s32 $0x9C72, s10;
	s15 =	sadd.s32 s8, s0;
	[dreg:$0x19] =	wrdreg s29  }
0x1b: {  	s9 =	simm.s32 $0x6;
	s7 =	sshrl.u32 s26, $0x3;
	[dreg:$0x1a] =	wrdreg s31  }
0x1c: {  	s16 =	sshrl.u32 s14, $0x3;
	[dreg:$0x8] =	wrdreg s15;
	s18 =	sadd.s32 $0x4E430, s5  }
0x1d: {  	s20 =	sadd.s32 $0x1E0, s5;
	s21 =	sadd.s32 $0x4C4, s10;
	s5 =	sadd.s32 $0x4E3E0, s5  }
0x1e: {  	s23 =	sadd.s32 $0xA104, s10;
	s24 =	sadd.s32 $0x4CE, s10;
	[dreg:$0x1b] =	wrdreg s21  }
0x1f: {  	s25 =	sadd.s32 $0xA10E, s10;
	s26 =	sadd.s32 $0x4D8, s10;
	[dreg:$0x1c] =	wrdreg s23  }
0x20: {  	s29 =	sadd.s32 $0x3A00, s2;
	s31 =	sadd.s32 $0xA118, s10;
	[dreg:$0x1d] =	wrdreg s24  }
0x21: {  	s10 =	simm.s32 $0x2800;
	s14 =	simm.s32 $0x5000;
	[dreg:$0x1e] =	wrdreg s25  }
0x22: {  	s15 =	simm.s32 $0x1;
	s7 =	sadd.s32 s7, s0;
	[dreg:$0x1f] =	wrdreg s26  }
0x23: {  	s17 =	sadd.s32 s16, s0;
	s19 =	sshrl.u32 s18, $0x3;
	[smem:$0x7FB] =	sst s29  }
0x24: {  	s8 =	sshrl.u32 s20, $0x3;
	s5 =	sshrl.u32 s5, $0x3;
	[smem:$0x7FD] =	sst s31  }
0x25: {  	s26 =	simm.s32 $0xA400;
	s18 =	simm.s32 $0x7800;
	s23 =	simm.s32 $0xA480  }
0x26: {  	s21 =	simm.s32 $0x9;
	s20 =	simm.s32 $0xA500;
	s24 =	simm.s32 $0xA  }
0x27: {  	s25 =	simm.s32 $0x4;
	[dreg:$0x5] =	wrdreg s7;
	s7 =	sadd.s32 s12, s0  }
0x28: {  	[dreg:$0x9] =	wrdreg s17;
	s22 =	sadd.s32 s8, s0;
	s17 =	simm.s32 $0x8  }
0x29: {  	s8 =	simm.s32 $0xC;
	s12 =	simm.s32 $0x0;
	[dreg:$0x7] =	wrdreg s7  }
0x2a: {  	s7 =	sadd.s32 s19, s0;
	[dreg:$0xb] =	wrdreg s22;
	s0 =	sadd.s32 s5, s0  }
0x2b: {  	s5 =	simm.s32 $0x5;
	s19 =	simm.s32 $0x2;
	[dreg:$0xa] =	wrdreg s7  }
0x2c: {  	s22 =	simm.s32 $0x3;
	[dreg:$0xc] =	wrdreg s0;
	s7 =	simm.s32 $0x50  }
.LBB2_1:
0x2d: {  	[smem:$0x7F8] =	sst s12  }
0x2e: {  	_ =	strace $0x80000048  }
0x2f: {  	s16 =	simm.s32 $0xA000;
	s2 =	rddreg [dreg:$0xe]  }
0x30: {  	[tilespmem:s16], [sflag:$0x5] =	stream.linear.gather [hbm4b:s2+s4], $0x50, $0x200038;
	[tilespmem:$0x1E600] =	vst v63  }
0x31: {  	s30 =	simm.s32 $0xA200;
	s0 =	rddreg [dreg:$0xf]  }
0x32: {  	[tilespmem:s30], [sflag:$0x5] =	stream.linear.gather [hbm4b:s0+s4], $0x50, $0x200038;
	[tilespmem:$0x1E600] =	vst v63  }
0x33: {  	s29 =	simm.s32 $0xA080;
	s12 =	rddreg [dreg:$0x10]  }
0x34: {  	[tilespmem:s29], [sflag:$0x6] =	stream.linear.gather [hbm4b:s12+s4], $0x50, $0x200038;
	[tilespmem:$0x1E600] =	vst v63  }
0x35: {  	s31 =	simm.s32 $0xA280;
	s0 =	rddreg [dreg:$0x11]  }
0x36: {  	[tilespmem:s31], [sflag:$0x6] =	stream.linear.gather [hbm4b:s0+s4], $0x50, $0x200038;
	[tilespmem:$0x1E600] =	vst v63  }
0x37: {  	s12 =	rddreg [dreg:$0x12];
	s0 =	simm.s32 $0xA100  }
0x38: {  	[tilespmem:s0], [sflag:$0x7] =	stream.linear.gather [hbm4b:s12+s4], $0x50, $0x200038;
	[tilespmem:$0x1E600] =	vst v63  }
0x39: {  	s0 =	rddreg [dreg:$0x13];
	s12 =	simm.s32 $0xA300  }
0x3a: {  	[tilespmem:s12], [sflag:$0x7] =	stream.linear.gather [hbm4b:s0+s4], $0x50, $0x200038;
	[tilespmem:$0x1E600] =	vst v63  }
0x3b: {  	_ =	strace $0x80000049  }
0x3c: {  	_ =	swait.ge [sflag:s5], $0x50  }
0x3d: {  	[sflag:s5] =	ssyncset.done $0x0  }
0x3e: {  	s12 =	stileid.u32;
	[sflag:s5] =	ssyncadd.s32 $0xFFFFFFB0  }
0x3f: {  	s2 =	sshll.u32 s12, $0x6;
	_ =	swait.ge [sflag:s5], $0x50  }
0x40: {  	[smem:$0x7F9] =	sst s2  }
0x41: {  	[sflag:s5] =	ssyncset.done $0x0;
	s0 =	rddreg [dreg:$0x14]  }
0x42: {  	s12 =	rddreg [dreg:$0xd];
	[sflag:s5] =	ssyncadd.s32 $0xFFFFFFB0;
	s0 =	sshrl.u32 s0, $0x3  }
0x43: {  	[tilespmem:s4], [sflag:$0x1] =	stream.indirect.gather [hbm4b:s1+s7], $0x80, s16, s7, $0x2000b8;
	[tilespmem:$0x1E600] =	vst v63  }
0x44: {  	s2 =	sor.u32 $0x1C0D, s2;
	[smem:$0x7FA] =	sst s0  }
0x45: {  	[spmem:s0], [sflag:s2] =	dma.local [hbm:s12], $0x2800  }
0x46: {  	s0 =	simm.s32 $0xD  }
0x47: {  	_ =	swait.ge [sflag:s0], $0x2800  }
0x48: {  	[sflag:s0] =	ssyncset.done $0x0  }
0x49: {  	[sflag:s0] =	ssyncadd.s32 $0xFFFFD800  }
0x4a: {  	[bflag:$0x0] =	sbarrier.arrive $0xFFFF  }
0x4b: {  	_ =	strace $0x90000049  }
0x4c: {  	_ =	swait.ge [sflag:s9], $0x50  }
0x4d: {  	[sflag:s9] =	ssyncset.done $0x0  }
0x4e: {  	[sflag:s9] =	ssyncadd.s32 $0xFFFFFFB0  }
0x4f: {  	_ =	swait.ge [sflag:s9], $0x50  }
0x50: {  	[sflag:s9] =	ssyncset.done $0x0  }
0x51: {  	[sflag:s9] =	ssyncadd.s32 $0xFFFFFFB0  }
0x52: {  	[tilespmem:s10], [sflag:$0x2] =	stream.indirect.gather [hbm4b:s1+s7], $0x80, s29, s7, $0x2000b8;
	[tilespmem:$0x1E600] =	vst v63  }
0x53: {  	s12 =	rddreg [dreg:$0x15]  }
0x54: {  	[tilespmem:s11], [sflag:$0x8] =	stream.linear.gather [hbm4b:s12+s4], $0x50, $0x200038;
	[tilespmem:$0x1E600] =	vst v63  }
0x55: {  	s0 =	rddreg [dreg:$0x16];
	s12 =	simm.s32 $0xA380  }
0x56: {  	[tilespmem:s12], [sflag:$0x8] =	stream.linear.gather [hbm4b:s0+s4], $0x50, $0x200038;
	[tilespmem:$0x1E600] =	vst v63  }
0x57: {  	_ =	swait.ge [sflag:s13], $0x50  }
0x58: {  	[sflag:s13] =	ssyncset.done $0x0  }
0x59: {  	[sflag:s13] =	ssyncadd.s32 $0xFFFFFFB0  }
0x5a: {  	_ =	swait.ge [sflag:s13], $0x50  }
0x5b: {  	[sflag:s13] =	ssyncset.done $0x0  }
0x5c: {  	s0 =	simm.s32 $0xA100;
	[sflag:s13] =	ssyncadd.s32 $0xFFFFFFB0  }
0x5d: {  	[tilespmem:s14], [sflag:$0x3] =	stream.indirect.gather [hbm4b:s1+s7], $0x80, s0, s7, $0x2000b8;
	[tilespmem:$0x1E600] =	vst v63  }
0x5e: {  	_ =	swait.ge [sflag:s15], $0x2800  }
0x5f: {  	[sflag:s15] =	ssyncset.done $0x0  }
0x60: {  	[sflag:s15] =	ssyncadd.s32 $0xFFFFD800  }
0x61: {  	v0 =	vld [tilespmem:$0xA200]  }
0x62: {  	v1 =	vld [tilespmem:$0xA210]  }
0x63: {  	v2 =	vld [tilespmem:$0xA220]  }
0x64: {  	v3 =	vld [tilespmem:$0xA230]  }
0x65: {  	v4 =	vld [tilespmem:$0xA240]  }
0x66: {  	[tilespmem:$0xA400] =	vst v0  }
0x67: {  	[tilespmem:$0xA410] =	vst v1  }
0x68: {  	[tilespmem:$0xA420] =	vst v2  }
0x69: {  	[tilespmem:$0xA430] =	vst v3  }
0x6a: {  	[tilespmem:$0xA440] =	vst v4  }
0x6b: {  	[spmem:s3] =	stream.indirect.scatter.add.f32 [tilespmem:s4], [sflag:$0x9], $0x80, s26, s7, $0x2000b8;
	[tilespmem:$0x1E600] =	vst v63  }
0x6c: {  	s12 =	rddreg [dreg:$0x17]  }
0x6d: {  	[tilespmem:s16], [sflag:$0x5] =	stream.linear.gather [hbm4b:s12+s4], $0x50, $0x200038;
	[tilespmem:$0x1E600] =	vst v63  }
0x6e: {  	s12 =	rddreg [dreg:$0x18]  }
0x6f: {  	[tilespmem:s30], [sflag:$0x5] =	stream.linear.gather [hbm4b:s12+s4], $0x50, $0x200038;
	[tilespmem:$0x1E600] =	vst v63  }
0x70: {  	_ =	swait.ge [sflag:s17], $0x50  }
0x71: {  	[sflag:s17] =	ssyncset.done $0x0  }
0x72: {  	[sflag:s17] =	ssyncadd.s32 $0xFFFFFFB0  }
0x73: {  	_ =	swait.ge [sflag:s17], $0x50  }
0x74: {  	[sflag:s17] =	ssyncset.done $0x0  }
0x75: {  	[sflag:s17] =	ssyncadd.s32 $0xFFFFFFB0  }
0x76: {  	[tilespmem:s18], [sflag:$0x4] =	stream.indirect.gather [hbm4b:s1+s7], $0x80, s11, s7, $0x2000b8;
	[tilespmem:$0x1E600] =	vst v63  }
0x77: {  	_ =	swait.ge [sflag:s19], $0x2800  }
0x78: {  	[sflag:s19] =	ssyncset.done $0x0  }
0x79: {  	[sflag:s19] =	ssyncadd.s32 $0xFFFFD800  }
0x7a: {  	v0 =	vld [tilespmem:$0xA280]  }
0x7b: {  	v1 =	vld [tilespmem:$0xA290]  }
0x7c: {  	v2 =	vld [tilespmem:$0xA2A0]  }
0x7d: {  	v3 =	vld [tilespmem:$0xA2B0]  }
0x7e: {  	v61 =	vld [tilespmem:$0xA2C0]  }
0x7f: {  	[tilespmem:$0xA480] =	vst v0  }
0x80: {  	[tilespmem:$0xA490] =	vst v1  }
0x81: {  	[tilespmem:$0xA4A0] =	vst v2  }
0x82: {  	[tilespmem:$0xA4B0] =	vst v3  }
0x83: {  	[tilespmem:$0xA4C0] =	vst v61  }
0x84: {  	[spmem:s3] =	stream.indirect.scatter.add.f32 [tilespmem:s10], [sflag:$0xA], $0x80, s23, s7, $0x2000b8;
	[tilespmem:$0x1E600] =	vst v63  }
0x85: {  	s30 =	rddreg [dreg:$0x19]  }
0x86: {  	[tilespmem:s29], [sflag:$0x6] =	stream.linear.gather [hbm4b:s30+s4], $0x50, $0x200038;
	[tilespmem:$0x1E600] =	vst v63  }
0x87: {  	s12 =	rddreg [dreg:$0x1a]  }
0x88: {  	[tilespmem:s31], [sflag:$0x6] =	stream.linear.gather [hbm4b:s12+s4], $0x50, $0x200038;
	[tilespmem:$0x1E600] =	vst v63  }
0x89: {  	_ =	swait.ge [sflag:s21], $0x2800  }
0x8a: {  	[sflag:s21] =	ssyncset.done $0x0  }
0x8b: {  	[sflag:s21] =	ssyncadd.s32 $0xFFFFD800  }
0x8c: {  	_ =	swait.ge [sflag:s5], $0x50  }
0x8d: {  	[sflag:s5] =	ssyncset.done $0x0  }
0x8e: {  	[sflag:s5] =	ssyncadd.s32 $0xFFFFFFB0  }
0x8f: {  	_ =	swait.ge [sflag:s5], $0x50  }
0x90: {  	[sflag:s5] =	ssyncset.done $0x0  }
0x91: {  	[sflag:s5] =	ssyncadd.s32 $0xFFFFFFB0  }
0x92: {  	[tilespmem:s4], [sflag:$0x1] =	stream.indirect.gather [hbm4b:s1+s7], $0x80, s16, s7, $0x2000b8;
	[tilespmem:$0x1E600] =	vst v63  }
0x93: {  	_ =	swait.ge [sflag:s22], $0x2800  }
0x94: {  	[sflag:s22] =	ssyncset.done $0x0  }
0x95: {  	[sflag:s22] =	ssyncadd.s32 $0xFFFFD800  }
0x96: {  	v0 =	vld [tilespmem:$0xA330]  }
0x97: {  	v1 =	vld [tilespmem:$0xA320]  }
0x98: {  	v2 =	vld [tilespmem:$0xA310]  }
0x99: {  	v3 =	vld [tilespmem:$0xA340]  }
0x9a: {  	v62 =	vld [tilespmem:$0xA300]  }
0x9b: {  	[tilespmem:$0xA530] =	vst v0  }
0x9c: {  	[tilespmem:$0xA520] =	vst v1  }
0x9d: {  	[tilespmem:$0xA510] =	vst v2  }
0x9e: {  	[tilespmem:$0xA540] =	vst v3  }
0x9f: {  	s16 =	rddreg [dreg:$0xb];
	[tilespmem:$0xA500] =	vst v62  }
0xa0: {  	[spmem:s3] =	stream.indirect.scatter.add.f32 [tilespmem:s14], [sflag:$0xB], $0x80, s20, s7, $0x2000b8;
	[tilespmem:$0x1E600] =	vst v63  }
0xa1: {  	s30 =	rddreg [dreg:$0xc];
	s2 =	sadd.s32 $0x0, s16  }
0xa2: {  	[tilespmem:s0], [sflag:$0x7] =	stream.linear.gather [hbm4b:s2+s4], $0x50, $0x200038;
	[tilespmem:$0x1E600] =	vst v63  }
0xa3: {  	s16 =	sadd.s32 $0x0, s30;
	s30 =	simm.s32 $0xA300  }
0xa4: {  	[tilespmem:s30], [sflag:$0x7] =	stream.linear.gather [hbm4b:s16+s4], $0x50, $0x200038;
	[tilespmem:$0x1E600] =	vst v63  }
0xa5: {  	_ =	swait.ge [sflag:s24], $0x2800  }
0xa6: {  	[sflag:s24] =	ssyncset.done $0x0  }
0xa7: {  	[sflag:s24] =	ssyncadd.s32 $0xFFFFD800  }
0xa8: {  	_ =	swait.ge [sflag:s9], $0x50  }
0xa9: {  	[sflag:s9] =	ssyncset.done $0x0  }
0xaa: {  	[sflag:s9] =	ssyncadd.s32 $0xFFFFFFB0  }
0xab: {  	_ =	swait.ge [sflag:s9], $0x50  }
0xac: {  	[sflag:s9] =	ssyncset.done $0x0  }
0xad: {  	[sflag:s9] =	ssyncadd.s32 $0xFFFFFFB0  }
0xae: {  	[tilespmem:s10], [sflag:$0x2] =	stream.indirect.gather [hbm4b:s1+s7], $0x80, s29, s7, $0x2000b8;
	[tilespmem:$0x1E600] =	vst v63  }
0xaf: {  	_ =	swait.ge [sflag:s25], $0x2800  }
0xb0: {  	[sflag:s25] =	ssyncset.done $0x0  }
0xb1: {  	[sflag:s25] =	ssyncadd.s32 $0xFFFFD800  }
0xb2: {  	v0 =	vld [tilespmem:$0xA3B0]  }
0xb3: {  	v1 =	vld [tilespmem:$0xA390]  }
0xb4: {  	v2 =	vld [tilespmem:$0xA3A0]  }
0xb5: {  	v3 =	vld [tilespmem:$0xA3C0]  }
0xb6: {  	v63 =	vld [tilespmem:$0xA380]  }
0xb7: {  	[tilespmem:$0xA5B0] =	vst v0  }
0xb8: {  	[tilespmem:$0xA590] =	vst v1  }
0xb9: {  	[tilespmem:$0xA5A0] =	vst v2  }
0xba: {  	[tilespmem:$0xA5C0] =	vst v3  }
0xbb: {  	s16 =	rddreg [dreg:$0x9];
	[tilespmem:$0xA580] =	vst v63  }
0xbc: {  	[spmem:s3] =	stream.indirect.scatter.add.f32 [tilespmem:s18], [sflag:$0xC], $0x80, s28, s7, $0x2000b8;
	[tilespmem:$0x1E600] =	vst v63  }
0xbd: {  	s30 =	rddreg [dreg:$0xa];
	s2 =	sadd.s32 $0x0, s16  }
0xbe: {  	[tilespmem:s11], [sflag:$0x8] =	stream.linear.gather [hbm4b:s2+s4], $0x50, $0x200038;
	[tilespmem:$0x1E600] =	vst v63  }
0xbf: {  	s16 =	sadd.s32 $0x0, s30;
	s30 =	simm.s32 $0xA380  }
0xc0: {  	[tilespmem:s30], [sflag:$0x8] =	stream.linear.gather [hbm4b:s16+s4], $0x50, $0x200038;
	[tilespmem:$0x1E600] =	vst v63  }
0xc1: {  	_ =	swait.ge [sflag:s6], $0x2800  }
0xc2: {  	[sflag:s6] =	ssyncset.done $0x0  }
0xc3: {  	[sflag:s6] =	ssyncadd.s32 $0xFFFFD800  }
0xc4: {  	_ =	swait.ge [sflag:s13], $0x50  }
0xc5: {  	[sflag:s13] =	ssyncset.done $0x0  }
0xc6: {  	[sflag:s13] =	ssyncadd.s32 $0xFFFFFFB0  }
0xc7: {  	_ =	swait.ge [sflag:s13], $0x50  }
0xc8: {  	[sflag:s13] =	ssyncset.done $0x0  }
0xc9: {  	s0 =	simm.s32 $0xA100;
	[sflag:s13] =	ssyncadd.s32 $0xFFFFFFB0  }
0xca: {  	[tilespmem:s14], [sflag:$0x3] =	stream.indirect.gather [hbm4b:s1+s7], $0x80, s0, s7, $0x2000b8;
	[tilespmem:$0x1E600] =	vst v63  }
0xcb: {  	_ =	swait.ge [sflag:s15], $0x2800  }
0xcc: {  	[sflag:s15] =	ssyncset.done $0x0  }
0xcd: {  	[sflag:s15] =	ssyncadd.s32 $0xFFFFD800  }
0xce: {  	v0 =	vld [tilespmem:$0xA240]  }
0xcf: {  	v1 =	vld [tilespmem:$0xA220]  }
0xd0: {  	v2 =	vld [tilespmem:$0xA210];
	_ =	sdelay $0x2  }
0xd1: {  	[tilespmem:$0xA440] =	vst v0  }
0xd2: {  	v0 =	vld [tilespmem:$0xA200];
	[tilespmem:$0xA420] =	vst v1  }
0xd3: {  	s31 =	simm.s32 $0x28;
	s29 =	simm.s32 $0x0;
	s12 =	rddreg [dreg:$0x7];
	v1 =	vld [tilespmem:$0xA230];
	[tilespmem:$0xA410] =	vst v2  }
.LBB2_2:
0xd4: {  	_ =	sdelay $0x2  }
0xd5: {  	[tilespmem:$0xA400] =	vst v0  }
0xd6: {  	[tilespmem:$0xA430] =	vst v1  }
0xd7: {  	[spmem:s3] =	stream.indirect.scatter.add.f32 [tilespmem:s4], [sflag:$0x9], $0x80, s26, s7, $0x2000b8;
	[tilespmem:$0x1E600] =	vst v63  }
0xd8: {  	s16 =	rddreg [dreg:$0x8];
	s12 =	sadd.s32 s29, s12;
	s30 =	simm.s32 $0xA000  }
0xd9: {  	[tilespmem:s30], [sflag:$0x5] =	stream.linear.gather [hbm4b:s12+s4], $0x50, $0x200038;
	[tilespmem:$0x1E600] =	vst v63  }
0xda: {  	s0 =	simm.s32 $0xA200;
	s16 =	sadd.s32 s29, s16  }
0xdb: {  	[tilespmem:s0], [sflag:$0x5] =	stream.linear.gather [hbm4b:s16+s4], $0x50, $0x200038;
	[tilespmem:$0x1E600] =	vst v63  }
0xdc: {  	_ =	swait.ge [sflag:s8], $0x2800  }
0xdd: {  	[sflag:s8] =	ssyncset.done $0x0  }
0xde: {  	[sflag:s8] =	ssyncadd.s32 $0xFFFFD800  }
0xdf: {  	_ =	swait.ge [sflag:s17], $0x50  }
0xe0: {  	[sflag:s17] =	ssyncset.done $0x0  }
0xe1: {  	[sflag:s17] =	ssyncadd.s32 $0xFFFFFFB0  }
0xe2: {  	_ =	swait.ge [sflag:s17], $0x50  }
0xe3: {  	[sflag:s17] =	ssyncset.done $0x0  }
0xe4: {  	[sflag:s17] =	ssyncadd.s32 $0xFFFFFFB0  }
0xe5: {  	[tilespmem:s18], [sflag:$0x4] =	stream.indirect.gather [hbm4b:s1+s7], $0x80, s11, s7, $0x2000b8;
	[tilespmem:$0x1E600] =	vst v63  }
0xe6: {  	_ =	swait.ge [sflag:s19], $0x2800  }
0xe7: {  	[sflag:s19] =	ssyncset.done $0x0  }
0xe8: {  	[sflag:s19] =	ssyncadd.s32 $0xFFFFD800  }
0xe9: {  	v0 =	vld [tilespmem:$0xA280]  }
0xea: {  	v1 =	vld [tilespmem:$0xA290]  }
0xeb: {  	v2 =	vld [tilespmem:$0xA2C0]  }
0xec: {  	v3 =	vld [tilespmem:$0xA2B0]  }
0xed: {  	v4 =	vld [tilespmem:$0xA2A0]  }
0xee: {  	[tilespmem:$0xA480] =	vst v0  }
0xef: {  	[tilespmem:$0xA490] =	vst v1  }
0xf0: {  	[tilespmem:$0xA4C0] =	vst v2  }
0xf1: {  	s16 =	rddreg [dreg:$0x5];
	[tilespmem:$0xA4B0] =	vst v3  }
0xf2: {  	s0 =	rddreg [dreg:$0x6];
	[tilespmem:$0xA4A0] =	vst v4  }
0xf3: {  	[spmem:s3] =	stream.indirect.scatter.add.f32 [tilespmem:s10], [sflag:$0xA], $0x80, s23, s7, $0x2000b8;
	[tilespmem:$0x1E600] =	vst v63  }
0xf4: {  	s12 =	sadd.s32 s29, s16;
	s16 =	sadd.s32 s29, s0;
	s0 =	simm.s32 $0xA080  }
0xf5: {  	[tilespmem:s0], [sflag:$0x6] =	stream.linear.gather [hbm4b:s12+s4], $0x50, $0x200038;
	[tilespmem:$0x1E600] =	vst v63  }
0xf6: {  	s12 =	simm.s32 $0xA280  }
0xf7: {  	[tilespmem:s12], [sflag:$0x6] =	stream.linear.gather [hbm4b:s16+s4], $0x50, $0x200038;
	[tilespmem:$0x1E600] =	vst v63  }
0xf8: {  	_ =	swait.ge [sflag:s21], $0x2800  }
0xf9: {  	[sflag:s21] =	ssyncset.done $0x0  }
0xfa: {  	[sflag:s21] =	ssyncadd.s32 $0xFFFFD800  }
0xfb: {  	_ =	swait.ge [sflag:s5], $0x50  }
0xfc: {  	[sflag:s5] =	ssyncset.done $0x0  }
0xfd: {  	[sflag:s5] =	ssyncadd.s32 $0xFFFFFFB0  }
0xfe: {  	_ =	swait.ge [sflag:s5], $0x50  }
0xff: {  	[sflag:s5] =	ssyncset.done $0x0  }
0x100: {  	[sflag:s5] =	ssyncadd.s32 $0xFFFFFFB0  }
0x101: {  	[tilespmem:s4], [sflag:$0x1] =	stream.indirect.gather [hbm4b:s1+s7], $0x80, s30, s7, $0x2000b8;
	[tilespmem:$0x1E600] =	vst v63  }
0x102: {  	_ =	swait.ge [sflag:s22], $0x2800  }
0x103: {  	[sflag:s22] =	ssyncset.done $0x0  }
0x104: {  	[sflag:s22] =	ssyncadd.s32 $0xFFFFD800  }
0x105: {  	v0 =	vld [tilespmem:$0xA330]  }
0x106: {  	v1 =	vld [tilespmem:$0xA320]  }
0x107: {  	v2 =	vld [tilespmem:$0xA310]  }
0x108: {  	v3 =	vld [tilespmem:$0xA340]  }
0x109: {  	v61 =	vld [tilespmem:$0xA300]  }
0x10a: {  	[tilespmem:$0xA530] =	vst v0  }
0x10b: {  	[tilespmem:$0xA520] =	vst v1  }
0x10c: {  	[tilespmem:$0xA510] =	vst v2  }
0x10d: {  	s2 =	smov.u32 s31;
	s12 =	rddreg [dreg:$0xc];
	[tilespmem:$0xA540] =	vst v3  }
0x10e: {  	s29 =	smov.u32 s2;
	s16 =	rddreg [dreg:$0xb];
	[tilespmem:$0xA500] =	vst v61  }
0x10f: {  	[spmem:s3] =	stream.indirect.scatter.add.f32 [tilespmem:s14], [sflag:$0xB], $0x80, s20, s7, $0x2000b8;
	[tilespmem:$0x1E600] =	vst v63  }
0x110: {  	s2 =	sadd.s32 s29, s12;
	s12 =	sadd.s32 s29, s16;
	s16 =	simm.s32 $0xA100  }
0x111: {  	[tilespmem:s16], [sflag:$0x7] =	stream.linear.gather [hbm4b:s12+s4], $0x50, $0x200038;
	[tilespmem:$0x1E600] =	vst v63  }
0x112: {  	s30 =	simm.s32 $0xA300  }
0x113: {  	[tilespmem:s30], [sflag:$0x7] =	stream.linear.gather [hbm4b:s2+s4], $0x50, $0x200038;
	[tilespmem:$0x1E600] =	vst v63  }
0x114: {  	_ =	swait.ge [sflag:s24], $0x2800  }
0x115: {  	[sflag:s24] =	ssyncset.done $0x0  }
0x116: {  	[sflag:s24] =	ssyncadd.s32 $0xFFFFD800  }
0x117: {  	_ =	swait.ge [sflag:s9], $0x50  }
0x118: {  	[sflag:s9] =	ssyncset.done $0x0  }
0x119: {  	[sflag:s9] =	ssyncadd.s32 $0xFFFFFFB0  }
0x11a: {  	_ =	swait.ge [sflag:s9], $0x50  }
0x11b: {  	[sflag:s9] =	ssyncset.done $0x0  }
0x11c: {  	[sflag:s9] =	ssyncadd.s32 $0xFFFFFFB0  }
0x11d: {  	[tilespmem:s10], [sflag:$0x2] =	stream.indirect.gather [hbm4b:s1+s7], $0x80, s0, s7, $0x2000b8;
	[tilespmem:$0x1E600] =	vst v63  }
0x11e: {  	_ =	swait.ge [sflag:s25], $0x2800  }
0x11f: {  	[sflag:s25] =	ssyncset.done $0x0  }
0x120: {  	[sflag:s25] =	ssyncadd.s32 $0xFFFFD800  }
0x121: {  	v0 =	vld [tilespmem:$0xA3B0]  }
0x122: {  	v1 =	vld [tilespmem:$0xA390]  }
0x123: {  	v2 =	vld [tilespmem:$0xA3A0]  }
0x124: {  	v3 =	vld [tilespmem:$0xA3C0]  }
0x125: {  	v62 =	vld [tilespmem:$0xA380]  }
0x126: {  	[tilespmem:$0xA5B0] =	vst v0  }
0x127: {  	[tilespmem:$0xA590] =	vst v1  }
0x128: {  	[tilespmem:$0xA5A0] =	vst v2  }
0x129: {  	[tilespmem:$0xA5C0] =	vst v3  }
0x12a: {  	s30 =	rddreg [dreg:$0x9];
	[tilespmem:$0xA580] =	vst v62  }
0x12b: {  	[spmem:s3] =	stream.indirect.scatter.add.f32 [tilespmem:s18], [sflag:$0xC], $0x80, s28, s7, $0x2000b8;
	[tilespmem:$0x1E600] =	vst v63  }
0x12c: {  	s0 =	rddreg [dreg:$0xa];
	s2 =	sadd.s32 s29, s30  }
0x12d: {  	[tilespmem:s11], [sflag:$0x8] =	stream.linear.gather [hbm4b:s2+s4], $0x50, $0x200038;
	[tilespmem:$0x1E600] =	vst v63  }
0x12e: {  	s12 =	sadd.s32 s29, s0;
	s30 =	simm.s32 $0xA380  }
0x12f: {  	[tilespmem:s30], [sflag:$0x8] =	stream.linear.gather [hbm4b:s12+s4], $0x50, $0x200038;
	[tilespmem:$0x1E600] =	vst v63  }
0x130: {  	_ =	swait.ge [sflag:s6], $0x2800  }
0x131: {  	[sflag:s6] =	ssyncset.done $0x0  }
0x132: {  	[sflag:s6] =	ssyncadd.s32 $0xFFFFD800  }
0x133: {  	_ =	swait.ge [sflag:s13], $0x50  }
0x134: {  	[sflag:s13] =	ssyncset.done $0x0  }
0x135: {  	[sflag:s13] =	ssyncadd.s32 $0xFFFFFFB0  }
0x136: {  	_ =	swait.ge [sflag:s13], $0x50  }
0x137: {  	[sflag:s13] =	ssyncset.done $0x0  }
0x138: {  	[sflag:s13] =	ssyncadd.s32 $0xFFFFFFB0  }
0x139: {  	[tilespmem:s14], [sflag:$0x3] =	stream.indirect.gather [hbm4b:s1+s7], $0x80, s16, s7, $0x2000b8;
	[tilespmem:$0x1E600] =	vst v63  }
0x13a: {  	_ =	swait.ge [sflag:s15], $0x2800  }
0x13b: {  	[sflag:s15] =	ssyncset.done $0x0  }
0x13c: {  	[sflag:s15] =	ssyncadd.s32 $0xFFFFD800  }
0x13d: {  	v2 =	vld [tilespmem:$0xA240]  }
0x13e: {  	v3 =	vld [tilespmem:$0xA220]  }
0x13f: {  	p0 =	sne.s32 s31, $0x460;
	v63 =	vld [tilespmem:$0xA210]  }
.Ltmp0:
0x140: {  	_ = 	snop;
	(pc) =	sbr.rel @p0 .LBB2_2-.Ltmp0, $4  }
0x141: {  	_ = 	snop  }
0x142: {  	[tilespmem:$0xA440] =	vst v2  }
0x143: {  	v0 =	vld [tilespmem:$0xA200];
	[tilespmem:$0xA420] =	vst v3  }
0x144: {  	s31 =	sadd.s32 $0x28, s31;
	s12 =	rddreg [dreg:$0x7];
	v1 =	vld [tilespmem:$0xA230];
	[tilespmem:$0xA410] =	vst v63  }
0x145: {  	_ =	sdelay $0x2  }
0x146: {  	[tilespmem:$0xA400] =	vst v0  }
0x147: {  	s31 =	simm.s32 $0xA400;
	[tilespmem:$0xA430] =	vst v1  }
0x148: {  	[spmem:s3] =	stream.indirect.scatter.add.f32 [tilespmem:s4], [sflag:$0x9], $0x80, s31, s7, $0x2000b8;
	[tilespmem:$0x1E600] =	vst v63  }
0x149: {  	s2 =	rddreg [dreg:$0x8];
	s12 =	sadd.s32 s29, s12;
	s28 =	simm.s32 $0xA000  }
0x14a: {  	[tilespmem:s28], [sflag:$0x5] =	stream.linear.gather [hbm4b:s12+s4], $0x50, $0x200038;
	[tilespmem:$0x1E600] =	vst v63  }
0x14b: {  	s20 =	simm.s32 $0xA200;
	s2 =	sadd.s32 s29, s2  }
0x14c: {  	[tilespmem:s20], [sflag:$0x5] =	stream.linear.gather [hbm4b:s2+s4], $0x50, $0x200038;
	[tilespmem:$0x1E600] =	vst v63  }
0x14d: {  	_ =	swait.ge [sflag:s8], $0x2800  }
0x14e: {  	[sflag:s8] =	ssyncset.done $0x0  }
0x14f: {  	[sflag:s8] =	ssyncadd.s32 $0xFFFFD800  }
0x150: {  	_ =	swait.ge [sflag:s17], $0x50  }
0x151: {  	[sflag:s17] =	ssyncset.done $0x0  }
0x152: {  	[sflag:s17] =	ssyncadd.s32 $0xFFFFFFB0  }
0x153: {  	_ =	swait.ge [sflag:s17], $0x50  }
0x154: {  	[sflag:s17] =	ssyncset.done $0x0  }
0x155: {  	[sflag:s17] =	ssyncadd.s32 $0xFFFFFFB0  }
0x156: {  	[tilespmem:s18], [sflag:$0x4] =	stream.indirect.gather [hbm4b:s1+s7], $0x80, s11, s7, $0x2000b8;
	[tilespmem:$0x1E600] =	vst v63  }
0x157: {  	_ =	swait.ge [sflag:s19], $0x2800  }
0x158: {  	[sflag:s19] =	ssyncset.done $0x0  }
0x159: {  	[sflag:s19] =	ssyncadd.s32 $0xFFFFD800  }
0x15a: {  	v27 =	vld [tilespmem:$0xA280]  }
0x15b: {  	v28 =	vld [tilespmem:$0xA290]  }
0x15c: {  	v2 =	vld [tilespmem:$0xA2C0]  }
0x15d: {  	v3 =	vld [tilespmem:$0xA2B0]  }
0x15e: {  	v4 =	vld [tilespmem:$0xA2A0]  }
0x15f: {  	[tilespmem:$0xA480] =	vst v27  }
0x160: {  	[tilespmem:$0xA490] =	vst v28  }
0x161: {  	[tilespmem:$0xA4C0] =	vst v2  }
0x162: {  	[tilespmem:$0xA4B0] =	vst v3  }
0x163: {  	s26 =	simm.s32 $0xA480;
	s16 =	rddreg [dreg:$0x5];
	[tilespmem:$0xA4A0] =	vst v4  }
0x164: {  	[spmem:s3] =	stream.indirect.scatter.add.f32 [tilespmem:s10], [sflag:$0xA], $0x80, s26, s7, $0x2000b8;
	[tilespmem:$0x1E600] =	vst v63  }
0x165: {  	s0 =	simm.s32 $0xA080;
	s23 =	rddreg [dreg:$0x6];
	s2 =	sadd.s32 s29, s16  }
0x166: {  	[tilespmem:s0], [sflag:$0x6] =	stream.linear.gather [hbm4b:s2+s4], $0x50, $0x200038;
	[tilespmem:$0x1E600] =	vst v63  }
0x167: {  	s30 =	simm.s32 $0xA280;
	s29 =	sadd.s32 s29, s23  }
0x168: {  	[tilespmem:s30], [sflag:$0x6] =	stream.linear.gather [hbm4b:s29+s4], $0x50, $0x200038;
	[tilespmem:$0x1E600] =	vst v63  }
0x169: {  	_ =	swait.ge [sflag:s21], $0x2800  }
0x16a: {  	[sflag:s21] =	ssyncset.done $0x0  }
0x16b: {  	[sflag:s21] =	ssyncadd.s32 $0xFFFFD800  }
0x16c: {  	_ =	swait.ge [sflag:s5], $0x50  }
0x16d: {  	[sflag:s5] =	ssyncset.done $0x0  }
0x16e: {  	[sflag:s5] =	ssyncadd.s32 $0xFFFFFFB0  }
0x16f: {  	_ =	swait.ge [sflag:s5], $0x50  }
0x170: {  	[sflag:s5] =	ssyncset.done $0x0  }
0x171: {  	[sflag:s5] =	ssyncadd.s32 $0xFFFFFFB0  }
0x172: {  	[tilespmem:s4], [sflag:$0x1] =	stream.indirect.gather [hbm4b:s1+s7], $0x80, s28, s7, $0x2000b8;
	[tilespmem:$0x1E600] =	vst v63  }
0x173: {  	_ =	swait.ge [sflag:s22], $0x2800  }
0x174: {  	[sflag:s22] =	ssyncset.done $0x0  }
0x175: {  	[sflag:s22] =	ssyncadd.s32 $0xFFFFD800  }
0x176: {  	v29 =	vld [tilespmem:$0xA300]  }
0x177: {  	v30 =	vld [tilespmem:$0xA310]  }
0x178: {  	v31 =	vld [tilespmem:$0xA320]  }
0x179: {  	v32 =	vld [tilespmem:$0xA330]  }
0x17a: {  	v33 =	vld [tilespmem:$0xA340]  }
0x17b: {  	[tilespmem:$0xA500] =	vst v29  }
0x17c: {  	[tilespmem:$0xA510] =	vst v30  }
0x17d: {  	[tilespmem:$0xA520] =	vst v31  }
0x17e: {  	[tilespmem:$0xA530] =	vst v32  }
0x17f: {  	s29 =	simm.s32 $0xA500;
	[tilespmem:$0xA540] =	vst v33  }
0x180: {  	[spmem:s3] =	stream.indirect.scatter.add.f32 [tilespmem:s14], [sflag:$0xB], $0x80, s29, s7, $0x2000b8;
	[tilespmem:$0x1E600] =	vst v63  }
0x181: {  	s23 =	simm.s32 $0xA100;
	s12 =	rddreg [dreg:$0x1b]  }
0x182: {  	[tilespmem:s23], [sflag:$0x7] =	stream.linear.gather [hbm4b:s12+s4], $0x50, $0x200038;
	[tilespmem:$0x1E600] =	vst v63  }
0x183: {  	s30 =	simm.s32 $0xA300;
	s16 =	rddreg [dreg:$0x1c]  }
0x184: {  	[tilespmem:s30], [sflag:$0x7] =	stream.linear.gather [hbm4b:s16+s4], $0x50, $0x200038;
	[tilespmem:$0x1E600] =	vst v63  }
0x185: {  	_ =	swait.ge [sflag:s24], $0x2800  }
0x186: {  	[sflag:s24] =	ssyncset.done $0x0  }
0x187: {  	[sflag:s24] =	ssyncadd.s32 $0xFFFFD800  }
0x188: {  	_ =	swait.ge [sflag:s9], $0x50  }
0x189: {  	[sflag:s9] =	ssyncset.done $0x0  }
0x18a: {  	[sflag:s9] =	ssyncadd.s32 $0xFFFFFFB0  }
0x18b: {  	_ =	swait.ge [sflag:s9], $0x50  }
0x18c: {  	[sflag:s9] =	ssyncset.done $0x0  }
0x18d: {  	[sflag:s9] =	ssyncadd.s32 $0xFFFFFFB0  }
0x18e: {  	[tilespmem:s10], [sflag:$0x2] =	stream.indirect.gather [hbm4b:s1+s7], $0x80, s0, s7, $0x2000b8;
	[tilespmem:$0x1E600] =	vst v63  }
0x18f: {  	_ =	swait.ge [sflag:s25], $0x2800  }
0x190: {  	[sflag:s25] =	ssyncset.done $0x0  }
0x191: {  	[sflag:s25] =	ssyncadd.s32 $0xFFFFD800  }
0x192: {  	v34 =	vld [tilespmem:$0xA380]  }
0x193: {  	v35 =	vld [tilespmem:$0xA390]  }
0x194: {  	v36 =	vld [tilespmem:$0xA3A0]  }
0x195: {  	v37 =	vld [tilespmem:$0xA3B0]  }
0x196: {  	v38 =	vld [tilespmem:$0xA3C0]  }
0x197: {  	[tilespmem:$0xA580] =	vst v34  }
0x198: {  	[tilespmem:$0xA590] =	vst v35  }
0x199: {  	[tilespmem:$0xA5A0] =	vst v36  }
0x19a: {  	[tilespmem:$0xA5B0] =	vst v37  }
0x19b: {  	s16 =	simm.s32 $0xA580;
	[tilespmem:$0xA5C0] =	vst v38  }
0x19c: {  	[spmem:s3] =	stream.indirect.scatter.add.f32 [tilespmem:s18], [sflag:$0xC], $0x80, s16, s7, $0x2000b8;
	[tilespmem:$0x1E600] =	vst v63  }
0x19d: {  	s12 =	rddreg [dreg:$0x1d]  }
0x19e: {  	[tilespmem:s11], [sflag:$0x8] =	stream.linear.gather [hbm4b:s12+s4], $0x50, $0x200038;
	[tilespmem:$0x1E600] =	vst v63  }
0x19f: {  	s0 =	simm.s32 $0xA380;
	s30 =	rddreg [dreg:$0x1e]  }
0x1a0: {  	[tilespmem:s0], [sflag:$0x8] =	stream.linear.gather [hbm4b:s30+s4], $0x50, $0x200038;
	[tilespmem:$0x1E600] =	vst v63  }
0x1a1: {  	_ =	swait.ge [sflag:s6], $0x2800  }
0x1a2: {  	[sflag:s6] =	ssyncset.done $0x0  }
0x1a3: {  	[sflag:s6] =	ssyncadd.s32 $0xFFFFD800  }
0x1a4: {  	_ =	swait.ge [sflag:s13], $0x50  }
0x1a5: {  	[sflag:s13] =	ssyncset.done $0x0  }
0x1a6: {  	[sflag:s13] =	ssyncadd.s32 $0xFFFFFFB0  }
0x1a7: {  	_ =	swait.ge [sflag:s13], $0x50  }
0x1a8: {  	[sflag:s13] =	ssyncset.done $0x0  }
0x1a9: {  	[sflag:s13] =	ssyncadd.s32 $0xFFFFFFB0  }
0x1aa: {  	[tilespmem:s14], [sflag:$0x3] =	stream.indirect.gather [hbm4b:s1+s7], $0x80, s23, s7, $0x2000b8;
	[tilespmem:$0x1E600] =	vst v63  }
0x1ab: {  	_ =	swait.ge [sflag:s15], $0x2800  }
0x1ac: {  	[sflag:s15] =	ssyncset.done $0x0  }
0x1ad: {  	[sflag:s15] =	ssyncadd.s32 $0xFFFFD800  }
0x1ae: {  	v39 =	vld [tilespmem:$0xA200]  }
0x1af: {  	v40 =	vld [tilespmem:$0xA210]  }
0x1b0: {  	v41 =	vld [tilespmem:$0xA220]  }
0x1b1: {  	v42 =	vld [tilespmem:$0xA230]  }
0x1b2: {  	v43 =	vld [tilespmem:$0xA240]  }
0x1b3: {  	[tilespmem:$0xA400] =	vst v39  }
0x1b4: {  	[tilespmem:$0xA410] =	vst v40  }
0x1b5: {  	[tilespmem:$0xA420] =	vst v41  }
0x1b6: {  	[tilespmem:$0xA430] =	vst v42  }
0x1b7: {  	s12 =	rddreg [dreg:$0x1f];
	[tilespmem:$0xA440] =	vst v43  }
0x1b8: {  	[spmem:s3] =	stream.indirect.scatter.add.f32 [tilespmem:s4], [sflag:$0x9], $0x80, s31, s7, $0x2000b8;
	[tilespmem:$0x1E600] =	vst v63  }
0x1b9: {  	s23 =	sld [smem:$0x7FD]  }
0x1ba: {  	[tilespmem:s28], [sflag:$0x5] =	stream.linear.gather [hbm4b:s12+s4], $0x50, $0x200038;
	[tilespmem:$0x1E600] =	vst v63  }
0x1bb: {  	_ = 	snop  }
0x1bc: {  	[tilespmem:s20], [sflag:$0x5] =	stream.linear.gather [hbm4b:s23+s4], $0x50, $0x200038;
	[tilespmem:$0x1E600] =	vst v63  }
0x1bd: {  	_ =	swait.ge [sflag:s8], $0x2800  }
0x1be: {  	[sflag:s8] =	ssyncset.done $0x0  }
0x1bf: {  	[sflag:s8] =	ssyncadd.s32 $0xFFFFD800  }
0x1c0: {  	_ =	swait.ge [sflag:s17], $0x50  }
0x1c1: {  	[sflag:s17] =	ssyncset.done $0x0  }
0x1c2: {  	[sflag:s17] =	ssyncadd.s32 $0xFFFFFFB0  }
0x1c3: {  	_ =	swait.ge [sflag:s17], $0x50  }
0x1c4: {  	[sflag:s17] =	ssyncset.done $0x0  }
0x1c5: {  	[sflag:s17] =	ssyncadd.s32 $0xFFFFFFB0  }
0x1c6: {  	[tilespmem:s18], [sflag:$0x4] =	stream.indirect.gather [hbm4b:s1+s7], $0x80, s11, s7, $0x2000b8;
	[tilespmem:$0x1E600] =	vst v63  }
0x1c7: {  	_ =	swait.ge [sflag:s19], $0x2800  }
0x1c8: {  	[sflag:s19] =	ssyncset.done $0x0  }
0x1c9: {  	[sflag:s19] =	ssyncadd.s32 $0xFFFFD800  }
0x1ca: {  	v44 =	vld [tilespmem:$0xA280]  }
0x1cb: {  	v45 =	vld [tilespmem:$0xA290]  }
0x1cc: {  	v46 =	vld [tilespmem:$0xA2A0]  }
0x1cd: {  	v47 =	vld [tilespmem:$0xA2B0]  }
0x1ce: {  	v48 =	vld [tilespmem:$0xA2C0]  }
0x1cf: {  	[tilespmem:$0xA480] =	vst v44  }
0x1d0: {  	[tilespmem:$0xA490] =	vst v45  }
0x1d1: {  	[tilespmem:$0xA4A0] =	vst v46  }
0x1d2: {  	[tilespmem:$0xA4B0] =	vst v47  }
0x1d3: {  	[tilespmem:$0xA4C0] =	vst v48  }
0x1d4: {  	[spmem:s3] =	stream.indirect.scatter.add.f32 [tilespmem:s10], [sflag:$0xA], $0x80, s26, s7, $0x2000b8;
	[tilespmem:$0x1E600] =	vst v63  }
0x1d5: {  	_ =	swait.ge [sflag:s21], $0x2800  }
0x1d6: {  	[sflag:s21] =	ssyncset.done $0x0  }
0x1d7: {  	[sflag:s21] =	ssyncadd.s32 $0xFFFFD800  }
0x1d8: {  	_ =	swait.ge [sflag:s5], $0x50  }
0x1d9: {  	[sflag:s5] =	ssyncset.done $0x0  }
0x1da: {  	[sflag:s5] =	ssyncadd.s32 $0xFFFFFFB0  }
0x1db: {  	_ =	swait.ge [sflag:s5], $0x50  }
0x1dc: {  	[sflag:s5] =	ssyncset.done $0x0  }
0x1dd: {  	[sflag:s5] =	ssyncadd.s32 $0xFFFFFFB0  }
0x1de: {  	[tilespmem:s4], [sflag:$0x1] =	stream.indirect.gather [hbm4b:s1+s7], $0x80, s28, s7, $0x2000b8;
	[tilespmem:$0x1E600] =	vst v63  }
0x1df: {  	_ =	swait.ge [sflag:s22], $0x2800  }
0x1e0: {  	[sflag:s22] =	ssyncset.done $0x0  }
0x1e1: {  	[sflag:s22] =	ssyncadd.s32 $0xFFFFD800  }
0x1e2: {  	v49 =	vld [tilespmem:$0xA300]  }
0x1e3: {  	v50 =	vld [tilespmem:$0xA310]  }
0x1e4: {  	v51 =	vld [tilespmem:$0xA320]  }
0x1e5: {  	v52 =	vld [tilespmem:$0xA330]  }
0x1e6: {  	v53 =	vld [tilespmem:$0xA340]  }
0x1e7: {  	[tilespmem:$0xA500] =	vst v49  }
0x1e8: {  	[tilespmem:$0xA510] =	vst v50  }
0x1e9: {  	[tilespmem:$0xA520] =	vst v51  }
0x1ea: {  	[tilespmem:$0xA530] =	vst v52  }
0x1eb: {  	[tilespmem:$0xA540] =	vst v53  }
0x1ec: {  	[spmem:s3] =	stream.indirect.scatter.add.f32 [tilespmem:s14], [sflag:$0xB], $0x80, s29, s7, $0x2000b8;
	[tilespmem:$0x1E600] =	vst v63  }
0x1ed: {  	_ =	swait.ge [sflag:s25], $0x2800  }
0x1ee: {  	[sflag:s25] =	ssyncset.done $0x0  }
0x1ef: {  	[sflag:s25] =	ssyncadd.s32 $0xFFFFD800  }
0x1f0: {  	v54 =	vld [tilespmem:$0xA380]  }
0x1f1: {  	v55 =	vld [tilespmem:$0xA390]  }
0x1f2: {  	v56 =	vld [tilespmem:$0xA3A0]  }
0x1f3: {  	v57 =	vld [tilespmem:$0xA3B0]  }
0x1f4: {  	v58 =	vld [tilespmem:$0xA3C0]  }
0x1f5: {  	[tilespmem:$0xA580] =	vst v54  }
0x1f6: {  	[tilespmem:$0xA590] =	vst v55  }
0x1f7: {  	[tilespmem:$0xA5A0] =	vst v56  }
0x1f8: {  	[tilespmem:$0xA5B0] =	vst v57  }
0x1f9: {  	[tilespmem:$0xA5C0] =	vst v58  }
0x1fa: {  	[spmem:s3] =	stream.indirect.scatter.add.f32 [tilespmem:s18], [sflag:$0xC], $0x80, s16, s7, $0x2000b8;
	[tilespmem:$0x1E600] =	vst v63  }
0x1fb: {  	_ =	swait.ge [sflag:s15], $0x2800  }
0x1fc: {  	[sflag:s15] =	ssyncset.done $0x0  }
0x1fd: {  	[sflag:s15] =	ssyncadd.s32 $0xFFFFD800  }
0x1fe: {  	v59 =	vld [tilespmem:$0xA200]  }
0x1ff: {  	v60 =	vld [tilespmem:$0xA210]  }
0x200: {  	v61 =	vld [tilespmem:$0xA220]  }
0x201: {  	v62 =	vld [tilespmem:$0xA230]  }
0x202: {  	v63 =	vld [tilespmem:$0xA240]  }
0x203: {  	[tilespmem:$0xA400] =	vst v59  }
0x204: {  	[tilespmem:$0xA410] =	vst v60  }
0x205: {  	[tilespmem:$0xA420] =	vst v61  }
0x206: {  	[tilespmem:$0xA430] =	vst v62  }
0x207: {  	[tilespmem:$0xA440] =	vst v63  }
0x208: {  	[spmem:s3] =	stream.indirect.scatter.add.f32 [tilespmem:s4], [sflag:$0x9], $0x80, s31, s7, $0x2000b8;
	[tilespmem:$0x1E600] =	vst v63  }
0x209: {  	_ =	swait.ge [sflag:s24], $0x2800  }
0x20a: {  	[sflag:s24] =	ssyncset.done $0x0  }
0x20b: {  	[sflag:s24] =	ssyncadd.s32 $0xFFFFD800  }
0x20c: {  	_ =	swait.ge [sflag:s6], $0x2800  }
0x20d: {  	[sflag:s6] =	ssyncset.done $0x0  }
0x20e: {  	[sflag:s6] =	ssyncadd.s32 $0xFFFFD800  }
0x20f: {  	_ =	swait.ge [sflag:s8], $0x2800  }
0x210: {  	[sflag:s8] =	ssyncset.done $0x0  }
0x211: {  	[sflag:s8] =	ssyncadd.s32 $0xFFFFD800  }
0x212: {  	_ =	swait.ge [sflag:s21], $0x2800  }
0x213: {  	[sflag:s21] =	ssyncset.done $0x0  }
0x214: {  	[sflag:s21] =	ssyncadd.s32 $0xFFFFD800  }
0x215: {  	_ =	strace $0x90000048  }
0x216: {  	_ =	strace $0x8000004A  }
0x217: {  	[bflag:$0x0] =	sbarrier.arrive $0xFFFF  }
0x218: {  	s30 =	sld [smem:$0x7F9]  }
0x219: {  	s0 =	sld [smem:$0x7FB]  }
0x21a: {  	s16 =	sld [smem:$0x7FA];
	_ =	sdelay $0x1  }
0x21b: {  	s29 =	simm.s32 $0xE;
	s31 =	sor.u32 $0x1C0E, s30  }
0x21c: {  	[hbm:s0], [sflag:s31] =	dma.local [spmem:s16], $0x2800  }
0x21d: {  	_ =	swait.ge [sflag:s29], $0x2800  }
0x21e: {  	s30 =	sld [smem:$0x7F8]  }
0x21f: {  	s31 =	sld [smem:$0x7FC];
	_ =	sdelay $0x1  }
0x220: {  	s12 =	sadd.s32 $0x1, s30  }
0x221: {  	p0 =	sne.s32 s12, s31  }
.Ltmp1:
0x222: {  	_ = 	snop;
	(pc) =	sbr.rel @p0 .LBB2_1-.Ltmp1, $4  }
0x223: {  	_ = 	snop  }
0x224: {  	[sflag:s29] =	ssyncset.done $0x0  }
0x225: {  	s23 =	simm.s32 $0xA480;
	s20 =	simm.s32 $0xA500;
	[sflag:s29] =	ssyncadd.s32 $0xFFFFD800  }
0x226: {  	s26 =	simm.s32 $0xA400;
	s28 =	simm.s32 $0xA580;
	_ =	strace $0x9000004A  }
0x227: {  	_ =	sfence.sel $0x180000  }
0x228: {  	[bflag:$0x0] =	sbarrier.arrive $0xFFFF  }
0x229: {  	_ =	strace $0x90000047  }
0x22a: {  	s0 =	stileid.u32;
	[bflag:$0x2] =	sbarrier.arrive $0xFFFF  }
0x22b: {  	p0 =	sne.s32 s0, $0x0;
	s0 =	rddreg [dreg:$0x4]  }
0x22c: {  	s0 =	sadd.s32 @!p0 $0x100000, s0  }
0x22d: {  	[sflag:s0] =	ssyncadd.tile.s32 @!p0 $0x1;
	_ =	shalt  }
.Lfunc_end2:
_tile_overlayer_lowered:
.L_overlay_start_2:
0x22e: {  	(tag) =	ssettag $0x2  }
0x22f: {  	s0 =	rddreg [dreg:$0x0];
	s2 =	stileid.u32  }
0x230: {  	s1 =	rddreg [dreg:$0x1];
	p0 =	sne.s32 s2, $0x0  }
0x231: {  	s3 =	rddreg [dreg:$0x2];
	[bflag:$0x3] =	sbarrier.arrive $0xFFFF;
	s2 =	simm.s32 @!p0 $0x1C0E  }
0x232: {  	[timem:s3], [sflag:s2] =	dma.local @!p0 [hbm:s0], s1  }
0x233: {  	s0 =	simm.s32 @!p0 $0xE  }
0x234: {  	_ =	swait.ge @!p0 [sflag:s0], s1  }
0x235: {  	s1 =	ssub.s32 @!p0 $0x0, s1;
	[sflag:s0] =	ssyncset.done @!p0 $0x0  }
0x236: {  	[sflag:s0] =	ssyncadd.s32 @!p0 s1  }
0x237: {  	[bflag:$0x3] =	sbarrier.arrive $0xFFFF  }
0x238: {  	_ =	shalt  }

</sc_bundles>
